<compile_context>
chip_gen: v7x
topology: tpu7x:2x2x1
jax: 0.10.2.dev20260603
libtpu: 0.0.44.dev20260713+nightly
codegen_flags: <defaults>
</compile_context>

<pallas_src>
import jax
import jax.numpy as jnp
from jax import lax
from jax.experimental import pallas as pl
from jax.experimental.pallas import tpu as pltpu
from jax.experimental.pallas import tpu_sc as plsc

D_MODEL = 128
BATCH = 4096
HIST = 50
N = BATCH * HIST

_info = plsc.get_sparse_core_info()
NC, NS = _info.num_cores, _info.num_subcores
NW = NC * NS
B_PER_W = N // NW
CHUNK = 400
NCHUNK = B_PER_W // CHUNK


def _gather_body(x_hbm, w_hbm, out_hbm, idx0, idx1, buf0, buf1,
                 isem0, isem1, gsem0, gsem1, ssem0, ssem1):
    wid = lax.axis_index("s") * NC + lax.axis_index("c")
    base = wid * B_PER_W

    idxs = (idx0, idx1)
    bufs = (buf0, buf1)
    isems = (isem0, isem1)
    gsems = (gsem0, gsem1)
    ssems = (ssem0, ssem1)

    def icopy(i):
        return pltpu.async_copy(
            x_hbm.at[pl.ds(base + i * CHUNK, CHUNK)], idxs[i % 2],
            isems[i % 2])

    def gather(i):
        return pltpu.async_copy(w_hbm.at[idxs[i % 2]], bufs[i % 2],
                                gsems[i % 2])

    def store(i):
        return pltpu.async_copy(
            bufs[i % 2], out_hbm.at[pl.ds(base + i * CHUNK, CHUNK)],
            ssems[i % 2])

    ic = [None] * NCHUNK
    g = [None] * NCHUNK
    s = [None] * NCHUNK

    ic[0] = icopy(0)
    ic[1] = icopy(1)
    ic[0].wait()
    g[0] = gather(0)
    for i in range(NCHUNK):
        if i + 1 < NCHUNK:
            ic[i + 1].wait()
            if i >= 1:
                s[i - 1].wait()
            g[i + 1] = gather(i + 1)
        g[i].wait()
        s[i] = store(i)
        if i + 2 < NCHUNK:
            ic[i + 2] = icopy(i + 2)
    s[NCHUNK - 2].wait()
    s[NCHUNK - 1].wait()


def kernel(x, W):
    xf = x.T.reshape(-1)
    mesh = plsc.VectorSubcoreMesh(core_axis_name="c", subcore_axis_name="s")
    out = pl.kernel(
        _gather_body,
        mesh=mesh,
        out_type=jax.ShapeDtypeStruct((N, D_MODEL), jnp.float32),
        scratch_types=[
            pltpu.VMEM((CHUNK,), jnp.int32),
            pltpu.VMEM((CHUNK,), jnp.int32),
            pltpu.VMEM((CHUNK, D_MODEL), jnp.float32),
            pltpu.VMEM((CHUNK, D_MODEL), jnp.float32),
            pltpu.SemaphoreType.DMA,
            pltpu.SemaphoreType.DMA,
            pltpu.SemaphoreType.DMA,
            pltpu.SemaphoreType.DMA,
            pltpu.SemaphoreType.DMA,
            pltpu.SemaphoreType.DMA,
        ],
    )(xf, W)
    return out.reshape(HIST, BATCH, D_MODEL).transpose(1, 0, 2)

# --- scband reference (transcript-rebuilt; emitter-appended) ---
"""Pipeline reference for scband-fixed-embedding-18915035971687 (READ-ONLY COPY).

The authoritative reference and input builder live on the scoring server;
editing this copy changes nothing except your own understanding.
"""

import jax, jax.numpy as jnp
import numpy as np
import math

C_IN = 100000
D_MODEL = 128
BATCH = 4096
HIST = 50


def make_fixed_table(c_in, d_model):
    position = jnp.arange(c_in, dtype=jnp.float32)[:, None]
    div_term = jnp.exp(jnp.arange(0, d_model, 2, dtype=jnp.float32) * (-(math.log(10000.0) / d_model)))
    ang = position * div_term
    w = jnp.zeros((c_in, d_model), dtype=jnp.float32)
    w = w.at[:, 0::2].set(jnp.sin(ang))
    w = w.at[:, 1::2].set(jnp.cos(ang))
    return w


def setup_inputs(seed: int = 0) -> dict:
    key = jax.random.key(seed)
    x = jax.random.randint(key, (BATCH, HIST), 0, C_IN, dtype=jnp.int32)
    W = make_fixed_table(C_IN, D_MODEL)
    return {"x": x, "W": W}


def reference(x, W):
    # nn.Embedding lookup followed by .detach()
    out = jnp.take(W, x, axis=0)
    return jax.lax.stop_gradient(out)

if __name__ == "__main__":
    import jax
    _d = setup_inputs()
    print(jax.jit(kernel)(*tuple(_d.values())))

</pallas_src>

<mosaic_0001>
#map = affine_map<(d0, d1) -> (0)>
#map1 = affine_map<(d0, d1) -> (0, 0)>
module attributes {stable_mosaic.version = 14 : i64} {
  func.func @_gather_body(%arg0: i32, %arg1: i32, %arg2: memref<204800xi32, #tpu.memory_space<hbm>>, %arg3: memref<100000x128xf32, #tpu.memory_space<hbm>>, %arg4: memref<204800x128xf32, #tpu.memory_space<hbm>>, %arg5: memref<400xi32, #tpu.memory_space<vmem>>, %arg6: memref<400xi32, #tpu.memory_space<vmem>>, %arg7: memref<400x128xf32, #tpu.memory_space<vmem>>, %arg8: memref<400x128xf32, #tpu.memory_space<vmem>>, %arg9: memref<!tpu.dma_semaphore, #tpu.memory_space<semaphore_mem>>, %arg10: memref<!tpu.dma_semaphore, #tpu.memory_space<semaphore_mem>>, %arg11: memref<!tpu.dma_semaphore, #tpu.memory_space<semaphore_mem>>, %arg12: memref<!tpu.dma_semaphore, #tpu.memory_space<semaphore_mem>>, %arg13: memref<!tpu.dma_semaphore, #tpu.memory_space<semaphore_mem>>, %arg14: memref<!tpu.dma_semaphore, #tpu.memory_space<semaphore_mem>>) attributes {dimension_semantics = [#tpu.dimension_semantics<core_parallel>, #tpu.dimension_semantics<subcore_parallel>], iteration_bounds = array<i64: 2, 16>, scalar_prefetch = 0 : i64, scratch_operands = 10 : i64, tpu.core_type = #tpu.core_type<sc_vector_subcore>, window_params = [{transform_indices = #map}, {transform_indices = #map1}, {transform_indices = #map1}]} {
    %mul3A = arith.constant 2 : i32
    %mul3A_0 = arith.muli %arg1, %mul3A : i32
    %add3A = arith.addi %mul3A_0, %arg0 : i32
    %mul3A_1 = arith.constant 6400 : i32
    %mul3A_2 = arith.muli %add3A, %mul3A_1 : i32
    %add3A_3 = arith.constant 0 : i32
    %add3A_4 = arith.addi %mul3A_2, %add3A_3 : i32
    %dma_start3A = tpu.memref_slice %arg2[%add3A_4] : memref<204800xi32, #tpu.memory_space<hbm>> -> memref<400xi32, #tpu.memory_space<hbm>>
    %dma_start3A_5 = tpu.memref_slice %arg2[%add3A_4] : memref<204800xi32, #tpu.memory_space<hbm>> -> memref<400xi32, #tpu.memory_space<hbm>>
    tpu.enqueue_dma source(%dma_start3A_5 : memref<400xi32, #tpu.memory_space<hbm>>) target(%arg5 : memref<400xi32, #tpu.memory_space<vmem>>) target_semaphore(%arg9 : memref<!tpu.dma_semaphore, #tpu.memory_space<semaphore_mem>>)
    %add3A_6 = arith.constant 400 : i32
    %add3A_7 = arith.addi %mul3A_2, %add3A_6 : i32
    %dma_start3A_8 = tpu.memref_slice %arg2[%add3A_7] : memref<204800xi32, #tpu.memory_space<hbm>> -> memref<400xi32, #tpu.memory_space<hbm>>
    %dma_start3A_9 = tpu.memref_slice %arg2[%add3A_7] : memref<204800xi32, #tpu.memory_space<hbm>> -> memref<400xi32, #tpu.memory_space<hbm>>
    tpu.enqueue_dma source(%dma_start3A_9 : memref<400xi32, #tpu.memory_space<hbm>>) target(%arg6 : memref<400xi32, #tpu.memory_space<vmem>>) target_semaphore(%arg10 : memref<!tpu.dma_semaphore, #tpu.memory_space<semaphore_mem>>)
    %dma_wait3A = tpu.memref_slice %arg2[%add3A_4] : memref<204800xi32, #tpu.memory_space<hbm>> -> memref<400xi32, #tpu.memory_space<hbm>>
    %dma_wait3A_10 = tpu.memref_slice %arg2[%add3A_4] : memref<204800xi32, #tpu.memory_space<hbm>> -> memref<400xi32, #tpu.memory_space<hbm>>
    tpu.wait_dma2 semaphore(%arg9 : memref<!tpu.dma_semaphore, #tpu.memory_space<semaphore_mem>>) src(%dma_wait3A_10 : memref<400xi32, #tpu.memory_space<hbm>>) dst(%arg5 : memref<400xi32, #tpu.memory_space<vmem>>)
    %dma_start3A_11 = arith.constant 0 : i32
    %dma_start3A_12 = arith.constant 0 : i32
    %dma_start3A_13 = tpu.memref_slice %arg3[%dma_start3A_11, %dma_start3A_12] : memref<100000x128xf32, #tpu.memory_space<hbm>> -> memref<100000x128xf32, #tpu.memory_space<hbm>>
    tpu.enqueue_indirect_dma source(%dma_start3A_13 : memref<100000x128xf32, #tpu.memory_space<hbm>>) target(%arg7 : memref<400x128xf32, #tpu.memory_space<vmem>>) offsets(%arg5 : memref<400xi32, #tpu.memory_space<vmem>>) semaphore(%arg11 : memref<!tpu.dma_semaphore, #tpu.memory_space<semaphore_mem>>)
    %dma_wait3A_14 = tpu.memref_slice %arg2[%add3A_7] : memref<204800xi32, #tpu.memory_space<hbm>> -> memref<400xi32, #tpu.memory_space<hbm>>
    %dma_wait3A_15 = tpu.memref_slice %arg2[%add3A_7] : memref<204800xi32, #tpu.memory_space<hbm>> -> memref<400xi32, #tpu.memory_space<hbm>>
    tpu.wait_dma2 semaphore(%arg10 : memref<!tpu.dma_semaphore, #tpu.memory_space<semaphore_mem>>) src(%dma_wait3A_15 : memref<400xi32, #tpu.memory_space<hbm>>) dst(%arg6 : memref<400xi32, #tpu.memory_space<vmem>>)
    %dma_start3A_16 = arith.constant 0 : i32
    %dma_start3A_17 = arith.constant 0 : i32
    %dma_start3A_18 = tpu.memref_slice %arg3[%dma_start3A_16, %dma_start3A_17] : memref<100000x128xf32, #tpu.memory_space<hbm>> -> memref<100000x128xf32, #tpu.memory_space<hbm>>
    tpu.enqueue_indirect_dma source(%dma_start3A_18 : memref<100000x128xf32, #tpu.memory_space<hbm>>) target(%arg8 : memref<400x128xf32, #tpu.memory_space<vmem>>) offsets(%arg6 : memref<400xi32, #tpu.memory_space<vmem>>) semaphore(%arg12 : memref<!tpu.dma_semaphore, #tpu.memory_space<semaphore_mem>>)
    %dma_wait3A_19 = arith.constant 0 : i32
    %dma_wait3A_20 = arith.constant 0 : i32
    %dma_wait3A_21 = tpu.memref_slice %arg3[%dma_wait3A_19, %dma_wait3A_20] : memref<100000x128xf32, #tpu.memory_space<hbm>> -> memref<100000x128xf32, #tpu.memory_space<hbm>>
    tpu.wait_indirect_dma semaphore(%arg11 : memref<!tpu.dma_semaphore, #tpu.memory_space<semaphore_mem>>) src(%dma_wait3A_21 : memref<100000x128xf32, #tpu.memory_space<hbm>>) dst(%arg7 : memref<400x128xf32, #tpu.memory_space<vmem>>)
    %add3A_22 = arith.constant 0 : i32
    %add3A_23 = arith.addi %mul3A_2, %add3A_22 : i32
    %dma_start3A_24 = arith.constant 0 : i32
    %dma_start3A_25 = tpu.memref_slice %arg4[%add3A_23, %dma_start3A_24] : memref<204800x128xf32, #tpu.memory_space<hbm>> -> memref<400x128xf32, #tpu.memory_space<hbm>>
    %dma_start3A_26 = arith.constant 0 : i32
    %dma_start3A_27 = tpu.memref_slice %arg4[%add3A_23, %dma_start3A_26] : memref<204800x128xf32, #tpu.memory_space<hbm>> -> memref<400x128xf32, #tpu.memory_space<hbm>>
    tpu.enqueue_dma source(%arg7 : memref<400x128xf32, #tpu.memory_space<vmem>>) target(%dma_start3A_27 : memref<400x128xf32, #tpu.memory_space<hbm>>) target_semaphore(%arg13 : memref<!tpu.dma_semaphore, #tpu.memory_space<semaphore_mem>>)
    %add3A_28 = arith.constant 800 : i32
    %add3A_29 = arith.addi %mul3A_2, %add3A_28 : i32
    %dma_start3A_30 = tpu.memref_slice %arg2[%add3A_29] : memref<204800xi32, #tpu.memory_space<hbm>> -> memref<400xi32, #tpu.memory_space<hbm>>
    %dma_start3A_31 = tpu.memref_slice %arg2[%add3A_29] : memref<204800xi32, #tpu.memory_space<hbm>> -> memref<400xi32, #tpu.memory_space<hbm>>
    tpu.enqueue_dma source(%dma_start3A_31 : memref<400xi32, #tpu.memory_space<hbm>>) target(%arg5 : memref<400xi32, #tpu.memory_space<vmem>>) target_semaphore(%arg9 : memref<!tpu.dma_semaphore, #tpu.memory_space<semaphore_mem>>)
    %dma_wait3A_32 = tpu.memref_slice %arg2[%add3A_29] : memref<204800xi32, #tpu.memory_space<hbm>> -> memref<400xi32, #tpu.memory_space<hbm>>
    %dma_wait3A_33 = tpu.memref_slice %arg2[%add3A_29] : memref<204800xi32, #tpu.memory_space<hbm>> -> memref<400xi32, #tpu.memory_space<hbm>>
    tpu.wait_dma2 semaphore(%arg9 : memref<!tpu.dma_semaphore, #tpu.memory_space<semaphore_mem>>) src(%dma_wait3A_33 : memref<400xi32, #tpu.memory_space<hbm>>) dst(%arg5 : memref<400xi32, #tpu.memory_space<vmem>>)
    %dma_wait3A_34 = arith.constant 0 : i32
    %dma_wait3A_35 = tpu.memref_slice %arg4[%add3A_23, %dma_wait3A_34] : memref<204800x128xf32, #tpu.memory_space<hbm>> -> memref<400x128xf32, #tpu.memory_space<hbm>>
    %dma_wait3A_36 = arith.constant 0 : i32
    %dma_wait3A_37 = tpu.memref_slice %arg4[%add3A_23, %dma_wait3A_36] : memref<204800x128xf32, #tpu.memory_space<hbm>> -> memref<400x128xf32, #tpu.memory_space<hbm>>
    tpu.wait_dma2 semaphore(%arg13 : memref<!tpu.dma_semaphore, #tpu.memory_space<semaphore_mem>>) src(%arg7 : memref<400x128xf32, #tpu.memory_space<vmem>>) dst(%dma_wait3A_37 : memref<400x128xf32, #tpu.memory_space<hbm>>)
    %dma_start3A_38 = arith.constant 0 : i32
    %dma_start3A_39 = arith.constant 0 : i32
    %dma_start3A_40 = tpu.memref_slice %arg3[%dma_start3A_38, %dma_start3A_39] : memref<100000x128xf32, #tpu.memory_space<hbm>> -> memref<100000x128xf32, #tpu.memory_space<hbm>>
    tpu.enqueue_indirect_dma source(%dma_start3A_40 : memref<100000x128xf32, #tpu.memory_space<hbm>>) target(%arg7 : memref<400x128xf32, #tpu.memory_space<vmem>>) offsets(%arg5 : memref<400xi32, #tpu.memory_space<vmem>>) semaphore(%arg11 : memref<!tpu.dma_semaphore, #tpu.memory_space<semaphore_mem>>)
    %dma_wait3A_41 = arith.constant 0 : i32
    %dma_wait3A_42 = arith.constant 0 : i32
    %dma_wait3A_43 = tpu.memref_slice %arg3[%dma_wait3A_41, %dma_wait3A_42] : memref<100000x128xf32, #tpu.memory_space<hbm>> -> memref<100000x128xf32, #tpu.memory_space<hbm>>
    tpu.wait_indirect_dma semaphore(%arg12 : memref<!tpu.dma_semaphore, #tpu.memory_space<semaphore_mem>>) src(%dma_wait3A_43 : memref<100000x128xf32, #tpu.memory_space<hbm>>) dst(%arg8 : memref<400x128xf32, #tpu.memory_space<vmem>>)
    %add3A_44 = arith.constant 400 : i32
    %add3A_45 = arith.addi %mul3A_2, %add3A_44 : i32
    %dma_start3A_46 = arith.constant 0 : i32
    %dma_start3A_47 = tpu.memref_slice %arg4[%add3A_45, %dma_start3A_46] : memref<204800x128xf32, #tpu.memory_space<hbm>> -> memref<400x128xf32, #tpu.memory_space<hbm>>
    %dma_start3A_48 = arith.constant 0 : i32
    %dma_start3A_49 = tpu.memref_slice %arg4[%add3A_45, %dma_start3A_48] : memref<204800x128xf32, #tpu.memory_space<hbm>> -> memref<400x128xf32, #tpu.memory_space<hbm>>
    tpu.enqueue_dma source(%arg8 : memref<400x128xf32, #tpu.memory_space<vmem>>) target(%dma_start3A_49 : memref<400x128xf32, #tpu.memory_space<hbm>>) target_semaphore(%arg14 : memref<!tpu.dma_semaphore, #tpu.memory_space<semaphore_mem>>)
    %add3A_50 = arith.constant 1200 : i32
    %add3A_51 = arith.addi %mul3A_2, %add3A_50 : i32
    %dma_start3A_52 = tpu.memref_slice %arg2[%add3A_51] : memref<204800xi32, #tpu.memory_space<hbm>> -> memref<400xi32, #tpu.memory_space<hbm>>
    %dma_start3A_53 = tpu.memref_slice %arg2[%add3A_51] : memref<204800xi32, #tpu.memory_space<hbm>> -> memref<400xi32, #tpu.memory_space<hbm>>
    tpu.enqueue_dma source(%dma_start3A_53 : memref<400xi32, #tpu.memory_space<hbm>>) target(%arg6 : memref<400xi32, #tpu.memory_space<vmem>>) target_semaphore(%arg10 : memref<!tpu.dma_semaphore, #tpu.memory_space<semaphore_mem>>)
    %dma_wait3A_54 = tpu.memref_slice %arg2[%add3A_51] : memref<204800xi32, #tpu.memory_space<hbm>> -> memref<400xi32, #tpu.memory_space<hbm>>
    %dma_wait3A_55 = tpu.memref_slice %arg2[%add3A_51] : memref<204800xi32, #tpu.memory_space<hbm>> -> memref<400xi32, #tpu.memory_space<hbm>>
    tpu.wait_dma2 semaphore(%arg10 : memref<!tpu.dma_semaphore, #tpu.memory_space<semaphore_mem>>) src(%dma_wait3A_55 : memref<400xi32, #tpu.memory_space<hbm>>) dst(%arg6 : memref<400xi32, #tpu.memory_space<vmem>>)
    %dma_wait3A_56 = arith.constant 0 : i32
    %dma_wait3A_57 = tpu.memref_slice %arg4[%add3A_45, %dma_wait3A_56] : memref<204800x128xf32, #tpu.memory_space<hbm>> -> memref<400x128xf32, #tpu.memory_space<hbm>>
    %dma_wait3A_58 = arith.constant 0 : i32
    %dma_wait3A_59 = tpu.memref_slice %arg4[%add3A_45, %dma_wait3A_58] : memref<204800x128xf32, #tpu.memory_space<hbm>> -> memref<400x128xf32, #tpu.memory_space<hbm>>
    tpu.wait_dma2 semaphore(%arg14 : memref<!tpu.dma_semaphore, #tpu.memory_space<semaphore_mem>>) src(%arg8 : memref<400x128xf32, #tpu.memory_space<vmem>>) dst(%dma_wait3A_59 : memref<400x128xf32, #tpu.memory_space<hbm>>)
    %dma_start3A_60 = arith.constant 0 : i32
    %dma_start3A_61 = arith.constant 0 : i32
    %dma_start3A_62 = tpu.memref_slice %arg3[%dma_start3A_60, %dma_start3A_61] : memref<100000x128xf32, #tpu.memory_space<hbm>> -> memref<100000x128xf32, #tpu.memory_space<hbm>>
    tpu.enqueue_indirect_dma source(%dma_start3A_62 : memref<100000x128xf32, #tpu.memory_space<hbm>>) target(%arg8 : memref<400x128xf32, #tpu.memory_space<vmem>>) offsets(%arg6 : memref<400xi32, #tpu.memory_space<vmem>>) semaphore(%arg12 : memref<!tpu.dma_semaphore, #tpu.memory_space<semaphore_mem>>)
    %dma_wait3A_63 = arith.constant 0 : i32
    %dma_wait3A_64 = arith.constant 0 : i32
    %dma_wait3A_65 = tpu.memref_slice %arg3[%dma_wait3A_63, %dma_wait3A_64] : memref<100000x128xf32, #tpu.memory_space<hbm>> -> memref<100000x128xf32, #tpu.memory_space<hbm>>
    tpu.wait_indirect_dma semaphore(%arg11 : memref<!tpu.dma_semaphore, #tpu.memory_space<semaphore_mem>>) src(%dma_wait3A_65 : memref<100000x128xf32, #tpu.memory_space<hbm>>) dst(%arg7 : memref<400x128xf32, #tpu.memory_space<vmem>>)
    %add3A_66 = arith.constant 800 : i32
    %add3A_67 = arith.addi %mul3A_2, %add3A_66 : i32
    %dma_start3A_68 = arith.constant 0 : i32
    %dma_start3A_69 = tpu.memref_slice %arg4[%add3A_67, %dma_start3A_68] : memref<204800x128xf32, #tpu.memory_space<hbm>> -> memref<400x128xf32, #tpu.memory_space<hbm>>
    %dma_start3A_70 = arith.constant 0 : i32
    %dma_start3A_71 = tpu.memref_slice %arg4[%add3A_67, %dma_start3A_70] : memref<204800x128xf32, #tpu.memory_space<hbm>> -> memref<400x128xf32, #tpu.memory_space<hbm>>
    tpu.enqueue_dma source(%arg7 : memref<400x128xf32, #tpu.memory_space<vmem>>) target(%dma_start3A_71 : memref<400x128xf32, #tpu.memory_space<hbm>>) target_semaphore(%arg13 : memref<!tpu.dma_semaphore, #tpu.memory_space<semaphore_mem>>)
    %add3A_72 = arith.constant 1600 : i32
    %add3A_73 = arith.addi %mul3A_2, %add3A_72 : i32
    %dma_start3A_74 = tpu.memref_slice %arg2[%add3A_73] : memref<204800xi32, #tpu.memory_space<hbm>> -> memref<400xi32, #tpu.memory_space<hbm>>
    %dma_start3A_75 = tpu.memref_slice %arg2[%add3A_73] : memref<204800xi32, #tpu.memory_space<hbm>> -> memref<400xi32, #tpu.memory_space<hbm>>
    tpu.enqueue_dma source(%dma_start3A_75 : memref<400xi32, #tpu.memory_space<hbm>>) target(%arg5 : memref<400xi32, #tpu.memory_space<vmem>>) target_semaphore(%arg9 : memref<!tpu.dma_semaphore, #tpu.memory_space<semaphore_mem>>)
    %dma_wait3A_76 = tpu.memref_slice %arg2[%add3A_73] : memref<204800xi32, #tpu.memory_space<hbm>> -> memref<400xi32, #tpu.memory_space<hbm>>
    %dma_wait3A_77 = tpu.memref_slice %arg2[%add3A_73] : memref<204800xi32, #tpu.memory_space<hbm>> -> memref<400xi32, #tpu.memory_space<hbm>>
    tpu.wait_dma2 semaphore(%arg9 : memref<!tpu.dma_semaphore, #tpu.memory_space<semaphore_mem>>) src(%dma_wait3A_77 : memref<400xi32, #tpu.memory_space<hbm>>) dst(%arg5 : memref<400xi32, #tpu.memory_space<vmem>>)
    %dma_wait3A_78 = arith.constant 0 : i32
    %dma_wait3A_79 = tpu.memref_slice %arg4[%add3A_67, %dma_wait3A_78] : memref<204800x128xf32, #tpu.memory_space<hbm>> -> memref<400x128xf32, #tpu.memory_space<hbm>>
    %dma_wait3A_80 = arith.constant 0 : i32
    %dma_wait3A_81 = tpu.memref_slice %arg4[%add3A_67, %dma_wait3A_80] : memref<204800x128xf32, #tpu.memory_space<hbm>> -> memref<400x128xf32, #tpu.memory_space<hbm>>
    tpu.wait_dma2 semaphore(%arg13 : memref<!tpu.dma_semaphore, #tpu.memory_space<semaphore_mem>>) src(%arg7 : memref<400x128xf32, #tpu.memory_space<vmem>>) dst(%dma_wait3A_81 : memref<400x128xf32, #tpu.memory_space<hbm>>)
    %dma_start3A_82 = arith.constant 0 : i32
    %dma_start3A_83 = arith.constant 0 : i32
    %dma_start3A_84 = tpu.memref_slice %arg3[%dma_start3A_82, %dma_start3A_83] : memref<100000x128xf32, #tpu.memory_space<hbm>> -> memref<100000x128xf32, #tpu.memory_space<hbm>>
    tpu.enqueue_indirect_dma source(%dma_start3A_84 : memref<100000x128xf32, #tpu.memory_space<hbm>>) target(%arg7 : memref<400x128xf32, #tpu.memory_space<vmem>>) offsets(%arg5 : memref<400xi32, #tpu.memory_space<vmem>>) semaphore(%arg11 : memref<!tpu.dma_semaphore, #tpu.memory_space<semaphore_mem>>)
    %dma_wait3A_85 = arith.constant 0 : i32
    %dma_wait3A_86 = arith.constant 0 : i32
    %dma_wait3A_87 = tpu.memref_slice %arg3[%dma_wait3A_85, %dma_wait3A_86] : memref<100000x128xf32, #tpu.memory_space<hbm>> -> memref<100000x128xf32, #tpu.memory_space<hbm>>
    tpu.wait_indirect_dma semaphore(%arg12 : memref<!tpu.dma_semaphore, #tpu.memory_space<semaphore_mem>>) src(%dma_wait3A_87 : memref<100000x128xf32, #tpu.memory_space<hbm>>) dst(%arg8 : memref<400x128xf32, #tpu.memory_space<vmem>>)
    %add3A_88 = arith.constant 1200 : i32
    %add3A_89 = arith.addi %mul3A_2, %add3A_88 : i32
    %dma_start3A_90 = arith.constant 0 : i32
    %dma_start3A_91 = tpu.memref_slice %arg4[%add3A_89, %dma_start3A_90] : memref<204800x128xf32, #tpu.memory_space<hbm>> -> memref<400x128xf32, #tpu.memory_space<hbm>>
    %dma_start3A_92 = arith.constant 0 : i32
    %dma_start3A_93 = tpu.memref_slice %arg4[%add3A_89, %dma_start3A_92] : memref<204800x128xf32, #tpu.memory_space<hbm>> -> memref<400x128xf32, #tpu.memory_space<hbm>>
    tpu.enqueue_dma source(%arg8 : memref<400x128xf32, #tpu.memory_space<vmem>>) target(%dma_start3A_93 : memref<400x128xf32, #tpu.memory_space<hbm>>) target_semaphore(%arg14 : memref<!tpu.dma_semaphore, #tpu.memory_space<semaphore_mem>>)
    %add3A_94 = arith.constant 2000 : i32
    %add3A_95 = arith.addi %mul3A_2, %add3A_94 : i32
    %dma_start3A_96 = tpu.memref_slice %arg2[%add3A_95] : memref<204800xi32, #tpu.memory_space<hbm>> -> memref<400xi32, #tpu.memory_space<hbm>>
    %dma_start3A_97 = tpu.memref_slice %arg2[%add3A_95] : memref<204800xi32, #tpu.memory_space<hbm>> -> memref<400xi32, #tpu.memory_space<hbm>>
    tpu.enqueue_dma source(%dma_start3A_97 : memref<400xi32, #tpu.memory_space<hbm>>) target(%arg6 : memref<400xi32, #tpu.memory_space<vmem>>) target_semaphore(%arg10 : memref<!tpu.dma_semaphore, #tpu.memory_space<semaphore_mem>>)
    %dma_wait3A_98 = tpu.memref_slice %arg2[%add3A_95] : memref<204800xi32, #tpu.memory_space<hbm>> -> memref<400xi32, #tpu.memory_space<hbm>>
    %dma_wait3A_99 = tpu.memref_slice %arg2[%add3A_95] : memref<204800xi32, #tpu.memory_space<hbm>> -> memref<400xi32, #tpu.memory_space<hbm>>
    tpu.wait_dma2 semaphore(%arg10 : memref<!tpu.dma_semaphore, #tpu.memory_space<semaphore_mem>>) src(%dma_wait3A_99 : memref<400xi32, #tpu.memory_space<hbm>>) dst(%arg6 : memref<400xi32, #tpu.memory_space<vmem>>)
    %dma_wait3A_100 = arith.constant 0 : i32
    %dma_wait3A_101 = tpu.memref_slice %arg4[%add3A_89, %dma_wait3A_100] : memref<204800x128xf32, #tpu.memory_space<hbm>> -> memref<400x128xf32, #tpu.memory_space<hbm>>
    %dma_wait3A_102 = arith.constant 0 : i32
    %dma_wait3A_103 = tpu.memref_slice %arg4[%add3A_89, %dma_wait3A_102] : memref<204800x128xf32, #tpu.memory_space<hbm>> -> memref<400x128xf32, #tpu.memory_space<hbm>>
    tpu.wait_dma2 semaphore(%arg14 : memref<!tpu.dma_semaphore, #tpu.memory_space<semaphore_mem>>) src(%arg8 : memref<400x128xf32, #tpu.memory_space<vmem>>) dst(%dma_wait3A_103 : memref<400x128xf32, #tpu.memory_space<hbm>>)
    %dma_start3A_104 = arith.constant 0 : i32
    %dma_start3A_105 = arith.constant 0 : i32
    %dma_start3A_106 = tpu.memref_slice %arg3[%dma_start3A_104, %dma_start3A_105] : memref<100000x128xf32, #tpu.memory_space<hbm>> -> memref<100000x128xf32, #tpu.memory_space<hbm>>
    tpu.enqueue_indirect_dma source(%dma_start3A_106 : memref<100000x128xf32, #tpu.memory_space<hbm>>) target(%arg8 : memref<400x128xf32, #tpu.memory_space<vmem>>) offsets(%arg6 : memref<400xi32, #tpu.memory_space<vmem>>) semaphore(%arg12 : memref<!tpu.dma_semaphore, #tpu.memory_space<semaphore_mem>>)
    %dma_wait3A_107 = arith.constant 0 : i32
    %dma_wait3A_108 = arith.constant 0 : i32
    %dma_wait3A_109 = tpu.memref_slice %arg3[%dma_wait3A_107, %dma_wait3A_108] : memref<100000x128xf32, #tpu.memory_space<hbm>> -> memref<100000x128xf32, #tpu.memory_space<hbm>>
    tpu.wait_indirect_dma semaphore(%arg11 : memref<!tpu.dma_semaphore, #tpu.memory_space<semaphore_mem>>) src(%dma_wait3A_109 : memref<100000x128xf32, #tpu.memory_space<hbm>>) dst(%arg7 : memref<400x128xf32, #tpu.memory_space<vmem>>)
    %add3A_110 = arith.constant 1600 : i32
    %add3A_111 = arith.addi %mul3A_2, %add3A_110 : i32
    %dma_start3A_112 = arith.constant 0 : i32
    %dma_start3A_113 = tpu.memref_slice %arg4[%add3A_111, %dma_start3A_112] : memref<204800x128xf32, #tpu.memory_space<hbm>> -> memref<400x128xf32, #tpu.memory_space<hbm>>
    %dma_start3A_114 = arith.constant 0 : i32
    %dma_start3A_115 = tpu.memref_slice %arg4[%add3A_111, %dma_start3A_114] : memref<204800x128xf32, #tpu.memory_space<hbm>> -> memref<400x128xf32, #tpu.memory_space<hbm>>
    tpu.enqueue_dma source(%arg7 : memref<400x128xf32, #tpu.memory_space<vmem>>) target(%dma_start3A_115 : memref<400x128xf32, #tpu.memory_space<hbm>>) target_semaphore(%arg13 : memref<!tpu.dma_semaphore, #tpu.memory_space<semaphore_mem>>)
    %add3A_116 = arith.constant 2400 : i32
    %add3A_117 = arith.addi %mul3A_2, %add3A_116 : i32
    %dma_start3A_118 = tpu.memref_slice %arg2[%add3A_117] : memref<204800xi32, #tpu.memory_space<hbm>> -> memref<400xi32, #tpu.memory_space<hbm>>
    %dma_start3A_119 = tpu.memref_slice %arg2[%add3A_117] : memref<204800xi32, #tpu.memory_space<hbm>> -> memref<400xi32, #tpu.memory_space<hbm>>
    tpu.enqueue_dma source(%dma_start3A_119 : memref<400xi32, #tpu.memory_space<hbm>>) target(%arg5 : memref<400xi32, #tpu.memory_space<vmem>>) target_semaphore(%arg9 : memref<!tpu.dma_semaphore, #tpu.memory_space<semaphore_mem>>)
    %dma_wait3A_120 = tpu.memref_slice %arg2[%add3A_117] : memref<204800xi32, #tpu.memory_space<hbm>> -> memref<400xi32, #tpu.memory_space<hbm>>
    %dma_wait3A_121 = tpu.memref_slice %arg2[%add3A_117] : memref<204800xi32, #tpu.memory_space<hbm>> -> memref<400xi32, #tpu.memory_space<hbm>>
    tpu.wait_dma2 semaphore(%arg9 : memref<!tpu.dma_semaphore, #tpu.memory_space<semaphore_mem>>) src(%dma_wait3A_121 : memref<400xi32, #tpu.memory_space<hbm>>) dst(%arg5 : memref<400xi32, #tpu.memory_space<vmem>>)
    %dma_wait3A_122 = arith.constant 0 : i32
    %dma_wait3A_123 = tpu.memref_slice %arg4[%add3A_111, %dma_wait3A_122] : memref<204800x128xf32, #tpu.memory_space<hbm>> -> memref<400x128xf32, #tpu.memory_space<hbm>>
    %dma_wait3A_124 = arith.constant 0 : i32
    %dma_wait3A_125 = tpu.memref_slice %arg4[%add3A_111, %dma_wait3A_124] : memref<204800x128xf32, #tpu.memory_space<hbm>> -> memref<400x128xf32, #tpu.memory_space<hbm>>
    tpu.wait_dma2 semaphore(%arg13 : memref<!tpu.dma_semaphore, #tpu.memory_space<semaphore_mem>>) src(%arg7 : memref<400x128xf32, #tpu.memory_space<vmem>>) dst(%dma_wait3A_125 : memref<400x128xf32, #tpu.memory_space<hbm>>)
    %dma_start3A_126 = arith.constant 0 : i32
    %dma_start3A_127 = arith.constant 0 : i32
    %dma_start3A_128 = tpu.memref_slice %arg3[%dma_start3A_126, %dma_start3A_127] : memref<100000x128xf32, #tpu.memory_space<hbm>> -> memref<100000x128xf32, #tpu.memory_space<hbm>>
    tpu.enqueue_indirect_dma source(%dma_start3A_128 : memref<100000x128xf32, #tpu.memory_space<hbm>>) target(%arg7 : memref<400x128xf32, #tpu.memory_space<vmem>>) offsets(%arg5 : memref<400xi32, #tpu.memory_space<vmem>>) semaphore(%arg11 : memref<!tpu.dma_semaphore, #tpu.memory_space<semaphore_mem>>)
    %dma_wait3A_129 = arith.constant 0 : i32
    %dma_wait3A_130 = arith.constant 0 : i32
    %dma_wait3A_131 = tpu.memref_slice %arg3[%dma_wait3A_129, %dma_wait3A_130] : memref<100000x128xf32, #tpu.memory_space<hbm>> -> memref<100000x128xf32, #tpu.memory_space<hbm>>
    tpu.wait_indirect_dma semaphore(%arg12 : memref<!tpu.dma_semaphore, #tpu.memory_space<semaphore_mem>>) src(%dma_wait3A_131 : memref<100000x128xf32, #tpu.memory_space<hbm>>) dst(%arg8 : memref<400x128xf32, #tpu.memory_space<vmem>>)
    %add3A_132 = arith.constant 2000 : i32
    %add3A_133 = arith.addi %mul3A_2, %add3A_132 : i32
    %dma_start3A_134 = arith.constant 0 : i32
    %dma_start3A_135 = tpu.memref_slice %arg4[%add3A_133, %dma_start3A_134] : memref<204800x128xf32, #tpu.memory_space<hbm>> -> memref<400x128xf32, #tpu.memory_space<hbm>>
    %dma_start3A_136 = arith.constant 0 : i32
    %dma_start3A_137 = tpu.memref_slice %arg4[%add3A_133, %dma_start3A_136] : memref<204800x128xf32, #tpu.memory_space<hbm>> -> memref<400x128xf32, #tpu.memory_space<hbm>>
    tpu.enqueue_dma source(%arg8 : memref<400x128xf32, #tpu.memory_space<vmem>>) target(%dma_start3A_137 : memref<400x128xf32, #tpu.memory_space<hbm>>) target_semaphore(%arg14 : memref<!tpu.dma_semaphore, #tpu.memory_space<semaphore_mem>>)
    %add3A_138 = arith.constant 2800 : i32
    %add3A_139 = arith.addi %mul3A_2, %add3A_138 : i32
    %dma_start3A_140 = tpu.memref_slice %arg2[%add3A_139] : memref<204800xi32, #tpu.memory_space<hbm>> -> memref<400xi32, #tpu.memory_space<hbm>>
    %dma_start3A_141 = tpu.memref_slice %arg2[%add3A_139] : memref<204800xi32, #tpu.memory_space<hbm>> -> memref<400xi32, #tpu.memory_space<hbm>>
    tpu.enqueue_dma source(%dma_start3A_141 : memref<400xi32, #tpu.memory_space<hbm>>) target(%arg6 : memref<400xi32, #tpu.memory_space<vmem>>) target_semaphore(%arg10 : memref<!tpu.dma_semaphore, #tpu.memory_space<semaphore_mem>>)
    %dma_wait3A_142 = tpu.memref_slice %arg2[%add3A_139] : memref<204800xi32, #tpu.memory_space<hbm>> -> memref<400xi32, #tpu.memory_space<hbm>>
    %dma_wait3A_143 = tpu.memref_slice %arg2[%add3A_139] : memref<204800xi32, #tpu.memory_space<hbm>> -> memref<400xi32, #tpu.memory_space<hbm>>
    tpu.wait_dma2 semaphore(%arg10 : memref<!tpu.dma_semaphore, #tpu.memory_space<semaphore_mem>>) src(%dma_wait3A_143 : memref<400xi32, #tpu.memory_space<hbm>>) dst(%arg6 : memref<400xi32, #tpu.memory_space<vmem>>)
    %dma_wait3A_144 = arith.constant 0 : i32
    %dma_wait3A_145 = tpu.memref_slice %arg4[%add3A_133, %dma_wait3A_144] : memref<204800x128xf32, #tpu.memory_space<hbm>> -> memref<400x128xf32, #tpu.memory_space<hbm>>
    %dma_wait3A_146 = arith.constant 0 : i32
    %dma_wait3A_147 = tpu.memref_slice %arg4[%add3A_133, %dma_wait3A_146] : memref<204800x128xf32, #tpu.memory_space<hbm>> -> memref<400x128xf32, #tpu.memory_space<hbm>>
    tpu.wait_dma2 semaphore(%arg14 : memref<!tpu.dma_semaphore, #tpu.memory_space<semaphore_mem>>) src(%arg8 : memref<400x128xf32, #tpu.memory_space<vmem>>) dst(%dma_wait3A_147 : memref<400x128xf32, #tpu.memory_space<hbm>>)
    %dma_start3A_148 = arith.constant 0 : i32
    %dma_start3A_149 = arith.constant 0 : i32
    %dma_start3A_150 = tpu.memref_slice %arg3[%dma_start3A_148, %dma_start3A_149] : memref<100000x128xf32, #tpu.memory_space<hbm>> -> memref<100000x128xf32, #tpu.memory_space<hbm>>
    tpu.enqueue_indirect_dma source(%dma_start3A_150 : memref<100000x128xf32, #tpu.memory_space<hbm>>) target(%arg8 : memref<400x128xf32, #tpu.memory_space<vmem>>) offsets(%arg6 : memref<400xi32, #tpu.memory_space<vmem>>) semaphore(%arg12 : memref<!tpu.dma_semaphore, #tpu.memory_space<semaphore_mem>>)
    %dma_wait3A_151 = arith.constant 0 : i32
    %dma_wait3A_152 = arith.constant 0 : i32
    %dma_wait3A_153 = tpu.memref_slice %arg3[%dma_wait3A_151, %dma_wait3A_152] : memref<100000x128xf32, #tpu.memory_space<hbm>> -> memref<100000x128xf32, #tpu.memory_space<hbm>>
    tpu.wait_indirect_dma semaphore(%arg11 : memref<!tpu.dma_semaphore, #tpu.memory_space<semaphore_mem>>) src(%dma_wait3A_153 : memref<100000x128xf32, #tpu.memory_space<hbm>>) dst(%arg7 : memref<400x128xf32, #tpu.memory_space<vmem>>)
    %add3A_154 = arith.constant 2400 : i32
    %add3A_155 = arith.addi %mul3A_2, %add3A_154 : i32
    %dma_start3A_156 = arith.constant 0 : i32
    %dma_start3A_157 = tpu.memref_slice %arg4[%add3A_155, %dma_start3A_156] : memref<204800x128xf32, #tpu.memory_space<hbm>> -> memref<400x128xf32, #tpu.memory_space<hbm>>
    %dma_start3A_158 = arith.constant 0 : i32
    %dma_start3A_159 = tpu.memref_slice %arg4[%add3A_155, %dma_start3A_158] : memref<204800x128xf32, #tpu.memory_space<hbm>> -> memref<400x128xf32, #tpu.memory_space<hbm>>
    tpu.enqueue_dma source(%arg7 : memref<400x128xf32, #tpu.memory_space<vmem>>) target(%dma_start3A_159 : memref<400x128xf32, #tpu.memory_space<hbm>>) target_semaphore(%arg13 : memref<!tpu.dma_semaphore, #tpu.memory_space<semaphore_mem>>)
    %add3A_160 = arith.constant 3200 : i32
    %add3A_161 = arith.addi %mul3A_2, %add3A_160 : i32
    %dma_start3A_162 = tpu.memref_slice %arg2[%add3A_161] : memref<204800xi32, #tpu.memory_space<hbm>> -> memref<400xi32, #tpu.memory_space<hbm>>
    %dma_start3A_163 = tpu.memref_slice %arg2[%add3A_161] : memref<204800xi32, #tpu.memory_space<hbm>> -> memref<400xi32, #tpu.memory_space<hbm>>
    tpu.enqueue_dma source(%dma_start3A_163 : memref<400xi32, #tpu.memory_space<hbm>>) target(%arg5 : memref<400xi32, #tpu.memory_space<vmem>>) target_semaphore(%arg9 : memref<!tpu.dma_semaphore, #tpu.memory_space<semaphore_mem>>)
    %dma_wait3A_164 = tpu.memref_slice %arg2[%add3A_161] : memref<204800xi32, #tpu.memory_space<hbm>> -> memref<400xi32, #tpu.memory_space<hbm>>
    %dma_wait3A_165 = tpu.memref_slice %arg2[%add3A_161] : memref<204800xi32, #tpu.memory_space<hbm>> -> memref<400xi32, #tpu.memory_space<hbm>>
    tpu.wait_dma2 semaphore(%arg9 : memref<!tpu.dma_semaphore, #tpu.memory_space<semaphore_mem>>) src(%dma_wait3A_165 : memref<400xi32, #tpu.memory_space<hbm>>) dst(%arg5 : memref<400xi32, #tpu.memory_space<vmem>>)
    %dma_wait3A_166 = arith.constant 0 : i32
    %dma_wait3A_167 = tpu.memref_slice %arg4[%add3A_155, %dma_wait3A_166] : memref<204800x128xf32, #tpu.memory_space<hbm>> -> memref<400x128xf32, #tpu.memory_space<hbm>>
    %dma_wait3A_168 = arith.constant 0 : i32
    %dma_wait3A_169 = tpu.memref_slice %arg4[%add3A_155, %dma_wait3A_168] : memref<204800x128xf32, #tpu.memory_space<hbm>> -> memref<400x128xf32, #tpu.memory_space<hbm>>
    tpu.wait_dma2 semaphore(%arg13 : memref<!tpu.dma_semaphore, #tpu.memory_space<semaphore_mem>>) src(%arg7 : memref<400x128xf32, #tpu.memory_space<vmem>>) dst(%dma_wait3A_169 : memref<400x128xf32, #tpu.memory_space<hbm>>)
    %dma_start3A_170 = arith.constant 0 : i32
    %dma_start3A_171 = arith.constant 0 : i32
    %dma_start3A_172 = tpu.memref_slice %arg3[%dma_start3A_170, %dma_start3A_171] : memref<100000x128xf32, #tpu.memory_space<hbm>> -> memref<100000x128xf32, #tpu.memory_space<hbm>>
    tpu.enqueue_indirect_dma source(%dma_start3A_172 : memref<100000x128xf32, #tpu.memory_space<hbm>>) target(%arg7 : memref<400x128xf32, #tpu.memory_space<vmem>>) offsets(%arg5 : memref<400xi32, #tpu.memory_space<vmem>>) semaphore(%arg11 : memref<!tpu.dma_semaphore, #tpu.memory_space<semaphore_mem>>)
    %dma_wait3A_173 = arith.constant 0 : i32
    %dma_wait3A_174 = arith.constant 0 : i32
    %dma_wait3A_175 = tpu.memref_slice %arg3[%dma_wait3A_173, %dma_wait3A_174] : memref<100000x128xf32, #tpu.memory_space<hbm>> -> memref<100000x128xf32, #tpu.memory_space<hbm>>
    tpu.wait_indirect_dma semaphore(%arg12 : memref<!tpu.dma_semaphore, #tpu.memory_space<semaphore_mem>>) src(%dma_wait3A_175 : memref<100000x128xf32, #tpu.memory_space<hbm>>) dst(%arg8 : memref<400x128xf32, #tpu.memory_space<vmem>>)
    %add3A_176 = arith.constant 2800 : i32
    %add3A_177 = arith.addi %mul3A_2, %add3A_176 : i32
    %dma_start3A_178 = arith.constant 0 : i32
    %dma_start3A_179 = tpu.memref_slice %arg4[%add3A_177, %dma_start3A_178] : memref<204800x128xf32, #tpu.memory_space<hbm>> -> memref<400x128xf32, #tpu.memory_space<hbm>>
    %dma_start3A_180 = arith.constant 0 : i32
    %dma_start3A_181 = tpu.memref_slice %arg4[%add3A_177, %dma_start3A_180] : memref<204800x128xf32, #tpu.memory_space<hbm>> -> memref<400x128xf32, #tpu.memory_space<hbm>>
    tpu.enqueue_dma source(%arg8 : memref<400x128xf32, #tpu.memory_space<vmem>>) target(%dma_start3A_181 : memref<400x128xf32, #tpu.memory_space<hbm>>) target_semaphore(%arg14 : memref<!tpu.dma_semaphore, #tpu.memory_space<semaphore_mem>>)
    %add3A_182 = arith.constant 3600 : i32
    %add3A_183 = arith.addi %mul3A_2, %add3A_182 : i32
    %dma_start3A_184 = tpu.memref_slice %arg2[%add3A_183] : memref<204800xi32, #tpu.memory_space<hbm>> -> memref<400xi32, #tpu.memory_space<hbm>>
    %dma_start3A_185 = tpu.memref_slice %arg2[%add3A_183] : memref<204800xi32, #tpu.memory_space<hbm>> -> memref<400xi32, #tpu.memory_space<hbm>>
    tpu.enqueue_dma source(%dma_start3A_185 : memref<400xi32, #tpu.memory_space<hbm>>) target(%arg6 : memref<400xi32, #tpu.memory_space<vmem>>) target_semaphore(%arg10 : memref<!tpu.dma_semaphore, #tpu.memory_space<semaphore_mem>>)
    %dma_wait3A_186 = tpu.memref_slice %arg2[%add3A_183] : memref<204800xi32, #tpu.memory_space<hbm>> -> memref<400xi32, #tpu.memory_space<hbm>>
    %dma_wait3A_187 = tpu.memref_slice %arg2[%add3A_183] : memref<204800xi32, #tpu.memory_space<hbm>> -> memref<400xi32, #tpu.memory_space<hbm>>
    tpu.wait_dma2 semaphore(%arg10 : memref<!tpu.dma_semaphore, #tpu.memory_space<semaphore_mem>>) src(%dma_wait3A_187 : memref<400xi32, #tpu.memory_space<hbm>>) dst(%arg6 : memref<400xi32, #tpu.memory_space<vmem>>)
    %dma_wait3A_188 = arith.constant 0 : i32
    %dma_wait3A_189 = tpu.memref_slice %arg4[%add3A_177, %dma_wait3A_188] : memref<204800x128xf32, #tpu.memory_space<hbm>> -> memref<400x128xf32, #tpu.memory_space<hbm>>
    %dma_wait3A_190 = arith.constant 0 : i32
    %dma_wait3A_191 = tpu.memref_slice %arg4[%add3A_177, %dma_wait3A_190] : memref<204800x128xf32, #tpu.memory_space<hbm>> -> memref<400x128xf32, #tpu.memory_space<hbm>>
    tpu.wait_dma2 semaphore(%arg14 : memref<!tpu.dma_semaphore, #tpu.memory_space<semaphore_mem>>) src(%arg8 : memref<400x128xf32, #tpu.memory_space<vmem>>) dst(%dma_wait3A_191 : memref<400x128xf32, #tpu.memory_space<hbm>>)
    %dma_start3A_192 = arith.constant 0 : i32
    %dma_start3A_193 = arith.constant 0 : i32
    %dma_start3A_194 = tpu.memref_slice %arg3[%dma_start3A_192, %dma_start3A_193] : memref<100000x128xf32, #tpu.memory_space<hbm>> -> memref<100000x128xf32, #tpu.memory_space<hbm>>
    tpu.enqueue_indirect_dma source(%dma_start3A_194 : memref<100000x128xf32, #tpu.memory_space<hbm>>) target(%arg8 : memref<400x128xf32, #tpu.memory_space<vmem>>) offsets(%arg6 : memref<400xi32, #tpu.memory_space<vmem>>) semaphore(%arg12 : memref<!tpu.dma_semaphore, #tpu.memory_space<semaphore_mem>>)
    %dma_wait3A_195 = arith.constant 0 : i32
    %dma_wait3A_196 = arith.constant 0 : i32
    %dma_wait3A_197 = tpu.memref_slice %arg3[%dma_wait3A_195, %dma_wait3A_196] : memref<100000x128xf32, #tpu.memory_space<hbm>> -> memref<100000x128xf32, #tpu.memory_space<hbm>>
    tpu.wait_indirect_dma semaphore(%arg11 : memref<!tpu.dma_semaphore, #tpu.memory_space<semaphore_mem>>) src(%dma_wait3A_197 : memref<100000x128xf32, #tpu.memory_space<hbm>>) dst(%arg7 : memref<400x128xf32, #tpu.memory_space<vmem>>)
    %add3A_198 = arith.constant 3200 : i32
    %add3A_199 = arith.addi %mul3A_2, %add3A_198 : i32
    %dma_start3A_200 = arith.constant 0 : i32
    %dma_start3A_201 = tpu.memref_slice %arg4[%add3A_199, %dma_start3A_200] : memref<204800x128xf32, #tpu.memory_space<hbm>> -> memref<400x128xf32, #tpu.memory_space<hbm>>
    %dma_start3A_202 = arith.constant 0 : i32
    %dma_start3A_203 = tpu.memref_slice %arg4[%add3A_199, %dma_start3A_202] : memref<204800x128xf32, #tpu.memory_space<hbm>> -> memref<400x128xf32, #tpu.memory_space<hbm>>
    tpu.enqueue_dma source(%arg7 : memref<400x128xf32, #tpu.memory_space<vmem>>) target(%dma_start3A_203 : memref<400x128xf32, #tpu.memory_space<hbm>>) target_semaphore(%arg13 : memref<!tpu.dma_semaphore, #tpu.memory_space<semaphore_mem>>)
    %add3A_204 = arith.constant 4000 : i32
    %add3A_205 = arith.addi %mul3A_2, %add3A_204 : i32
    %dma_start3A_206 = tpu.memref_slice %arg2[%add3A_205] : memref<204800xi32, #tpu.memory_space<hbm>> -> memref<400xi32, #tpu.memory_space<hbm>>
    %dma_start3A_207 = tpu.memref_slice %arg2[%add3A_205] : memref<204800xi32, #tpu.memory_space<hbm>> -> memref<400xi32, #tpu.memory_space<hbm>>
    tpu.enqueue_dma source(%dma_start3A_207 : memref<400xi32, #tpu.memory_space<hbm>>) target(%arg5 : memref<400xi32, #tpu.memory_space<vmem>>) target_semaphore(%arg9 : memref<!tpu.dma_semaphore, #tpu.memory_space<semaphore_mem>>)
    %dma_wait3A_208 = tpu.memref_slice %arg2[%add3A_205] : memref<204800xi32, #tpu.memory_space<hbm>> -> memref<400xi32, #tpu.memory_space<hbm>>
    %dma_wait3A_209 = tpu.memref_slice %arg2[%add3A_205] : memref<204800xi32, #tpu.memory_space<hbm>> -> memref<400xi32, #tpu.memory_space<hbm>>
    tpu.wait_dma2 semaphore(%arg9 : memref<!tpu.dma_semaphore, #tpu.memory_space<semaphore_mem>>) src(%dma_wait3A_209 : memref<400xi32, #tpu.memory_space<hbm>>) dst(%arg5 : memref<400xi32, #tpu.memory_space<vmem>>)
    %dma_wait3A_210 = arith.constant 0 : i32
    %dma_wait3A_211 = tpu.memref_slice %arg4[%add3A_199, %dma_wait3A_210] : memref<204800x128xf32, #tpu.memory_space<hbm>> -> memref<400x128xf32, #tpu.memory_space<hbm>>
    %dma_wait3A_212 = arith.constant 0 : i32
    %dma_wait3A_213 = tpu.memref_slice %arg4[%add3A_199, %dma_wait3A_212] : memref<204800x128xf32, #tpu.memory_space<hbm>> -> memref<400x128xf32, #tpu.memory_space<hbm>>
    tpu.wait_dma2 semaphore(%arg13 : memref<!tpu.dma_semaphore, #tpu.memory_space<semaphore_mem>>) src(%arg7 : memref<400x128xf32, #tpu.memory_space<vmem>>) dst(%dma_wait3A_213 : memref<400x128xf32, #tpu.memory_space<hbm>>)
    %dma_start3A_214 = arith.constant 0 : i32
    %dma_start3A_215 = arith.constant 0 : i32
    %dma_start3A_216 = tpu.memref_slice %arg3[%dma_start3A_214, %dma_start3A_215] : memref<100000x128xf32, #tpu.memory_space<hbm>> -> memref<100000x128xf32, #tpu.memory_space<hbm>>
    tpu.enqueue_indirect_dma source(%dma_start3A_216 : memref<100000x128xf32, #tpu.memory_space<hbm>>) target(%arg7 : memref<400x128xf32, #tpu.memory_space<vmem>>) offsets(%arg5 : memref<400xi32, #tpu.memory_space<vmem>>) semaphore(%arg11 : memref<!tpu.dma_semaphore, #tpu.memory_space<semaphore_mem>>)
    %dma_wait3A_217 = arith.constant 0 : i32
    %dma_wait3A_218 = arith.constant 0 : i32
    %dma_wait3A_219 = tpu.memref_slice %arg3[%dma_wait3A_217, %dma_wait3A_218] : memref<100000x128xf32, #tpu.memory_space<hbm>> -> memref<100000x128xf32, #tpu.memory_space<hbm>>
    tpu.wait_indirect_dma semaphore(%arg12 : memref<!tpu.dma_semaphore, #tpu.memory_space<semaphore_mem>>) src(%dma_wait3A_219 : memref<100000x128xf32, #tpu.memory_space<hbm>>) dst(%arg8 : memref<400x128xf32, #tpu.memory_space<vmem>>)
    %add3A_220 = arith.constant 3600 : i32
    %add3A_221 = arith.addi %mul3A_2, %add3A_220 : i32
    %dma_start3A_222 = arith.constant 0 : i32
    %dma_start3A_223 = tpu.memref_slice %arg4[%add3A_221, %dma_start3A_222] : memref<204800x128xf32, #tpu.memory_space<hbm>> -> memref<400x128xf32, #tpu.memory_space<hbm>>
    %dma_start3A_224 = arith.constant 0 : i32
    %dma_start3A_225 = tpu.memref_slice %arg4[%add3A_221, %dma_start3A_224] : memref<204800x128xf32, #tpu.memory_space<hbm>> -> memref<400x128xf32, #tpu.memory_space<hbm>>
    tpu.enqueue_dma source(%arg8 : memref<400x128xf32, #tpu.memory_space<vmem>>) target(%dma_start3A_225 : memref<400x128xf32, #tpu.memory_space<hbm>>) target_semaphore(%arg14 : memref<!tpu.dma_semaphore, #tpu.memory_space<semaphore_mem>>)
    %add3A_226 = arith.constant 4400 : i32
    %add3A_227 = arith.addi %mul3A_2, %add3A_226 : i32
    %dma_start3A_228 = tpu.memref_slice %arg2[%add3A_227] : memref<204800xi32, #tpu.memory_space<hbm>> -> memref<400xi32, #tpu.memory_space<hbm>>
    %dma_start3A_229 = tpu.memref_slice %arg2[%add3A_227] : memref<204800xi32, #tpu.memory_space<hbm>> -> memref<400xi32, #tpu.memory_space<hbm>>
    tpu.enqueue_dma source(%dma_start3A_229 : memref<400xi32, #tpu.memory_space<hbm>>) target(%arg6 : memref<400xi32, #tpu.memory_space<vmem>>) target_semaphore(%arg10 : memref<!tpu.dma_semaphore, #tpu.memory_space<semaphore_mem>>)
    %dma_wait3A_230 = tpu.memref_slice %arg2[%add3A_227] : memref<204800xi32, #tpu.memory_space<hbm>> -> memref<400xi32, #tpu.memory_space<hbm>>
    %dma_wait3A_231 = tpu.memref_slice %arg2[%add3A_227] : memref<204800xi32, #tpu.memory_space<hbm>> -> memref<400xi32, #tpu.memory_space<hbm>>
    tpu.wait_dma2 semaphore(%arg10 : memref<!tpu.dma_semaphore, #tpu.memory_space<semaphore_mem>>) src(%dma_wait3A_231 : memref<400xi32, #tpu.memory_space<hbm>>) dst(%arg6 : memref<400xi32, #tpu.memory_space<vmem>>)
    %dma_wait3A_232 = arith.constant 0 : i32
    %dma_wait3A_233 = tpu.memref_slice %arg4[%add3A_221, %dma_wait3A_232] : memref<204800x128xf32, #tpu.memory_space<hbm>> -> memref<400x128xf32, #tpu.memory_space<hbm>>
    %dma_wait3A_234 = arith.constant 0 : i32
    %dma_wait3A_235 = tpu.memref_slice %arg4[%add3A_221, %dma_wait3A_234] : memref<204800x128xf32, #tpu.memory_space<hbm>> -> memref<400x128xf32, #tpu.memory_space<hbm>>
    tpu.wait_dma2 semaphore(%arg14 : memref<!tpu.dma_semaphore, #tpu.memory_space<semaphore_mem>>) src(%arg8 : memref<400x128xf32, #tpu.memory_space<vmem>>) dst(%dma_wait3A_235 : memref<400x128xf32, #tpu.memory_space<hbm>>)
    %dma_start3A_236 = arith.constant 0 : i32
    %dma_start3A_237 = arith.constant 0 : i32
    %dma_start3A_238 = tpu.memref_slice %arg3[%dma_start3A_236, %dma_start3A_237] : memref<100000x128xf32, #tpu.memory_space<hbm>> -> memref<100000x128xf32, #tpu.memory_space<hbm>>
    tpu.enqueue_indirect_dma source(%dma_start3A_238 : memref<100000x128xf32, #tpu.memory_space<hbm>>) target(%arg8 : memref<400x128xf32, #tpu.memory_space<vmem>>) offsets(%arg6 : memref<400xi32, #tpu.memory_space<vmem>>) semaphore(%arg12 : memref<!tpu.dma_semaphore, #tpu.memory_space<semaphore_mem>>)
    %dma_wait3A_239 = arith.constant 0 : i32
    %dma_wait3A_240 = arith.constant 0 : i32
    %dma_wait3A_241 = tpu.memref_slice %arg3[%dma_wait3A_239, %dma_wait3A_240] : memref<100000x128xf32, #tpu.memory_space<hbm>> -> memref<100000x128xf32, #tpu.memory_space<hbm>>
    tpu.wait_indirect_dma semaphore(%arg11 : memref<!tpu.dma_semaphore, #tpu.memory_space<semaphore_mem>>) src(%dma_wait3A_241 : memref<100000x128xf32, #tpu.memory_space<hbm>>) dst(%arg7 : memref<400x128xf32, #tpu.memory_space<vmem>>)
    %add3A_242 = arith.constant 4000 : i32
    %add3A_243 = arith.addi %mul3A_2, %add3A_242 : i32
    %dma_start3A_244 = arith.constant 0 : i32
    %dma_start3A_245 = tpu.memref_slice %arg4[%add3A_243, %dma_start3A_244] : memref<204800x128xf32, #tpu.memory_space<hbm>> -> memref<400x128xf32, #tpu.memory_space<hbm>>
    %dma_start3A_246 = arith.constant 0 : i32
    %dma_start3A_247 = tpu.memref_slice %arg4[%add3A_243, %dma_start3A_246] : memref<204800x128xf32, #tpu.memory_space<hbm>> -> memref<400x128xf32, #tpu.memory_space<hbm>>
    tpu.enqueue_dma source(%arg7 : memref<400x128xf32, #tpu.memory_space<vmem>>) target(%dma_start3A_247 : memref<400x128xf32, #tpu.memory_space<hbm>>) target_semaphore(%arg13 : memref<!tpu.dma_semaphore, #tpu.memory_space<semaphore_mem>>)
    %add3A_248 = arith.constant 4800 : i32
    %add3A_249 = arith.addi %mul3A_2, %add3A_248 : i32
    %dma_start3A_250 = tpu.memref_slice %arg2[%add3A_249] : memref<204800xi32, #tpu.memory_space<hbm>> -> memref<400xi32, #tpu.memory_space<hbm>>
    %dma_start3A_251 = tpu.memref_slice %arg2[%add3A_249] : memref<204800xi32, #tpu.memory_space<hbm>> -> memref<400xi32, #tpu.memory_space<hbm>>
    tpu.enqueue_dma source(%dma_start3A_251 : memref<400xi32, #tpu.memory_space<hbm>>) target(%arg5 : memref<400xi32, #tpu.memory_space<vmem>>) target_semaphore(%arg9 : memref<!tpu.dma_semaphore, #tpu.memory_space<semaphore_mem>>)
    %dma_wait3A_252 = tpu.memref_slice %arg2[%add3A_249] : memref<204800xi32, #tpu.memory_space<hbm>> -> memref<400xi32, #tpu.memory_space<hbm>>
    %dma_wait3A_253 = tpu.memref_slice %arg2[%add3A_249] : memref<204800xi32, #tpu.memory_space<hbm>> -> memref<400xi32, #tpu.memory_space<hbm>>
    tpu.wait_dma2 semaphore(%arg9 : memref<!tpu.dma_semaphore, #tpu.memory_space<semaphore_mem>>) src(%dma_wait3A_253 : memref<400xi32, #tpu.memory_space<hbm>>) dst(%arg5 : memref<400xi32, #tpu.memory_space<vmem>>)
    %dma_wait3A_254 = arith.constant 0 : i32
    %dma_wait3A_255 = tpu.memref_slice %arg4[%add3A_243, %dma_wait3A_254] : memref<204800x128xf32, #tpu.memory_space<hbm>> -> memref<400x128xf32, #tpu.memory_space<hbm>>
    %dma_wait3A_256 = arith.constant 0 : i32
    %dma_wait3A_257 = tpu.memref_slice %arg4[%add3A_243, %dma_wait3A_256] : memref<204800x128xf32, #tpu.memory_space<hbm>> -> memref<400x128xf32, #tpu.memory_space<hbm>>
    tpu.wait_dma2 semaphore(%arg13 : memref<!tpu.dma_semaphore, #tpu.memory_space<semaphore_mem>>) src(%arg7 : memref<400x128xf32, #tpu.memory_space<vmem>>) dst(%dma_wait3A_257 : memref<400x128xf32, #tpu.memory_space<hbm>>)
    %dma_start3A_258 = arith.constant 0 : i32
    %dma_start3A_259 = arith.constant 0 : i32
    %dma_start3A_260 = tpu.memref_slice %arg3[%dma_start3A_258, %dma_start3A_259] : memref<100000x128xf32, #tpu.memory_space<hbm>> -> memref<100000x128xf32, #tpu.memory_space<hbm>>
    tpu.enqueue_indirect_dma source(%dma_start3A_260 : memref<100000x128xf32, #tpu.memory_space<hbm>>) target(%arg7 : memref<400x128xf32, #tpu.memory_space<vmem>>) offsets(%arg5 : memref<400xi32, #tpu.memory_space<vmem>>) semaphore(%arg11 : memref<!tpu.dma_semaphore, #tpu.memory_space<semaphore_mem>>)
    %dma_wait3A_261 = arith.constant 0 : i32
    %dma_wait3A_262 = arith.constant 0 : i32
    %dma_wait3A_263 = tpu.memref_slice %arg3[%dma_wait3A_261, %dma_wait3A_262] : memref<100000x128xf32, #tpu.memory_space<hbm>> -> memref<100000x128xf32, #tpu.memory_space<hbm>>
    tpu.wait_indirect_dma semaphore(%arg12 : memref<!tpu.dma_semaphore, #tpu.memory_space<semaphore_mem>>) src(%dma_wait3A_263 : memref<100000x128xf32, #tpu.memory_space<hbm>>) dst(%arg8 : memref<400x128xf32, #tpu.memory_space<vmem>>)
    %add3A_264 = arith.constant 4400 : i32
    %add3A_265 = arith.addi %mul3A_2, %add3A_264 : i32
    %dma_start3A_266 = arith.constant 0 : i32
    %dma_start3A_267 = tpu.memref_slice %arg4[%add3A_265, %dma_start3A_266] : memref<204800x128xf32, #tpu.memory_space<hbm>> -> memref<400x128xf32, #tpu.memory_space<hbm>>
    %dma_start3A_268 = arith.constant 0 : i32
    %dma_start3A_269 = tpu.memref_slice %arg4[%add3A_265, %dma_start3A_268] : memref<204800x128xf32, #tpu.memory_space<hbm>> -> memref<400x128xf32, #tpu.memory_space<hbm>>
    tpu.enqueue_dma source(%arg8 : memref<400x128xf32, #tpu.memory_space<vmem>>) target(%dma_start3A_269 : memref<400x128xf32, #tpu.memory_space<hbm>>) target_semaphore(%arg14 : memref<!tpu.dma_semaphore, #tpu.memory_space<semaphore_mem>>)
    %add3A_270 = arith.constant 5200 : i32
    %add3A_271 = arith.addi %mul3A_2, %add3A_270 : i32
    %dma_start3A_272 = tpu.memref_slice %arg2[%add3A_271] : memref<204800xi32, #tpu.memory_space<hbm>> -> memref<400xi32, #tpu.memory_space<hbm>>
    %dma_start3A_273 = tpu.memref_slice %arg2[%add3A_271] : memref<204800xi32, #tpu.memory_space<hbm>> -> memref<400xi32, #tpu.memory_space<hbm>>
    tpu.enqueue_dma source(%dma_start3A_273 : memref<400xi32, #tpu.memory_space<hbm>>) target(%arg6 : memref<400xi32, #tpu.memory_space<vmem>>) target_semaphore(%arg10 : memref<!tpu.dma_semaphore, #tpu.memory_space<semaphore_mem>>)
    %dma_wait3A_274 = tpu.memref_slice %arg2[%add3A_271] : memref<204800xi32, #tpu.memory_space<hbm>> -> memref<400xi32, #tpu.memory_space<hbm>>
    %dma_wait3A_275 = tpu.memref_slice %arg2[%add3A_271] : memref<204800xi32, #tpu.memory_space<hbm>> -> memref<400xi32, #tpu.memory_space<hbm>>
    tpu.wait_dma2 semaphore(%arg10 : memref<!tpu.dma_semaphore, #tpu.memory_space<semaphore_mem>>) src(%dma_wait3A_275 : memref<400xi32, #tpu.memory_space<hbm>>) dst(%arg6 : memref<400xi32, #tpu.memory_space<vmem>>)
    %dma_wait3A_276 = arith.constant 0 : i32
    %dma_wait3A_277 = tpu.memref_slice %arg4[%add3A_265, %dma_wait3A_276] : memref<204800x128xf32, #tpu.memory_space<hbm>> -> memref<400x128xf32, #tpu.memory_space<hbm>>
    %dma_wait3A_278 = arith.constant 0 : i32
    %dma_wait3A_279 = tpu.memref_slice %arg4[%add3A_265, %dma_wait3A_278] : memref<204800x128xf32, #tpu.memory_space<hbm>> -> memref<400x128xf32, #tpu.memory_space<hbm>>
    tpu.wait_dma2 semaphore(%arg14 : memref<!tpu.dma_semaphore, #tpu.memory_space<semaphore_mem>>) src(%arg8 : memref<400x128xf32, #tpu.memory_space<vmem>>) dst(%dma_wait3A_279 : memref<400x128xf32, #tpu.memory_space<hbm>>)
    %dma_start3A_280 = arith.constant 0 : i32
    %dma_start3A_281 = arith.constant 0 : i32
    %dma_start3A_282 = tpu.memref_slice %arg3[%dma_start3A_280, %dma_start3A_281] : memref<100000x128xf32, #tpu.memory_space<hbm>> -> memref<100000x128xf32, #tpu.memory_space<hbm>>
    tpu.enqueue_indirect_dma source(%dma_start3A_282 : memref<100000x128xf32, #tpu.memory_space<hbm>>) target(%arg8 : memref<400x128xf32, #tpu.memory_space<vmem>>) offsets(%arg6 : memref<400xi32, #tpu.memory_space<vmem>>) semaphore(%arg12 : memref<!tpu.dma_semaphore, #tpu.memory_space<semaphore_mem>>)
    %dma_wait3A_283 = arith.constant 0 : i32
    %dma_wait3A_284 = arith.constant 0 : i32
    %dma_wait3A_285 = tpu.memref_slice %arg3[%dma_wait3A_283, %dma_wait3A_284] : memref<100000x128xf32, #tpu.memory_space<hbm>> -> memref<100000x128xf32, #tpu.memory_space<hbm>>
    tpu.wait_indirect_dma semaphore(%arg11 : memref<!tpu.dma_semaphore, #tpu.memory_space<semaphore_mem>>) src(%dma_wait3A_285 : memref<100000x128xf32, #tpu.memory_space<hbm>>) dst(%arg7 : memref<400x128xf32, #tpu.memory_space<vmem>>)
    %add3A_286 = arith.constant 4800 : i32
    %add3A_287 = arith.addi %mul3A_2, %add3A_286 : i32
    %dma_start3A_288 = arith.constant 0 : i32
    %dma_start3A_289 = tpu.memref_slice %arg4[%add3A_287, %dma_start3A_288] : memref<204800x128xf32, #tpu.memory_space<hbm>> -> memref<400x128xf32, #tpu.memory_space<hbm>>
    %dma_start3A_290 = arith.constant 0 : i32
    %dma_start3A_291 = tpu.memref_slice %arg4[%add3A_287, %dma_start3A_290] : memref<204800x128xf32, #tpu.memory_space<hbm>> -> memref<400x128xf32, #tpu.memory_space<hbm>>
    tpu.enqueue_dma source(%arg7 : memref<400x128xf32, #tpu.memory_space<vmem>>) target(%dma_start3A_291 : memref<400x128xf32, #tpu.memory_space<hbm>>) target_semaphore(%arg13 : memref<!tpu.dma_semaphore, #tpu.memory_space<semaphore_mem>>)
    %add3A_292 = arith.constant 5600 : i32
    %add3A_293 = arith.addi %mul3A_2, %add3A_292 : i32
    %dma_start3A_294 = tpu.memref_slice %arg2[%add3A_293] : memref<204800xi32, #tpu.memory_space<hbm>> -> memref<400xi32, #tpu.memory_space<hbm>>
    %dma_start3A_295 = tpu.memref_slice %arg2[%add3A_293] : memref<204800xi32, #tpu.memory_space<hbm>> -> memref<400xi32, #tpu.memory_space<hbm>>
    tpu.enqueue_dma source(%dma_start3A_295 : memref<400xi32, #tpu.memory_space<hbm>>) target(%arg5 : memref<400xi32, #tpu.memory_space<vmem>>) target_semaphore(%arg9 : memref<!tpu.dma_semaphore, #tpu.memory_space<semaphore_mem>>)
    %dma_wait3A_296 = tpu.memref_slice %arg2[%add3A_293] : memref<204800xi32, #tpu.memory_space<hbm>> -> memref<400xi32, #tpu.memory_space<hbm>>
    %dma_wait3A_297 = tpu.memref_slice %arg2[%add3A_293] : memref<204800xi32, #tpu.memory_space<hbm>> -> memref<400xi32, #tpu.memory_space<hbm>>
    tpu.wait_dma2 semaphore(%arg9 : memref<!tpu.dma_semaphore, #tpu.memory_space<semaphore_mem>>) src(%dma_wait3A_297 : memref<400xi32, #tpu.memory_space<hbm>>) dst(%arg5 : memref<400xi32, #tpu.memory_space<vmem>>)
    %dma_wait3A_298 = arith.constant 0 : i32
    %dma_wait3A_299 = tpu.memref_slice %arg4[%add3A_287, %dma_wait3A_298] : memref<204800x128xf32, #tpu.memory_space<hbm>> -> memref<400x128xf32, #tpu.memory_space<hbm>>
    %dma_wait3A_300 = arith.constant 0 : i32
    %dma_wait3A_301 = tpu.memref_slice %arg4[%add3A_287, %dma_wait3A_300] : memref<204800x128xf32, #tpu.memory_space<hbm>> -> memref<400x128xf32, #tpu.memory_space<hbm>>
    tpu.wait_dma2 semaphore(%arg13 : memref<!tpu.dma_semaphore, #tpu.memory_space<semaphore_mem>>) src(%arg7 : memref<400x128xf32, #tpu.memory_space<vmem>>) dst(%dma_wait3A_301 : memref<400x128xf32, #tpu.memory_space<hbm>>)
    %dma_start3A_302 = arith.constant 0 : i32
    %dma_start3A_303 = arith.constant 0 : i32
    %dma_start3A_304 = tpu.memref_slice %arg3[%dma_start3A_302, %dma_start3A_303] : memref<100000x128xf32, #tpu.memory_space<hbm>> -> memref<100000x128xf32, #tpu.memory_space<hbm>>
    tpu.enqueue_indirect_dma source(%dma_start3A_304 : memref<100000x128xf32, #tpu.memory_space<hbm>>) target(%arg7 : memref<400x128xf32, #tpu.memory_space<vmem>>) offsets(%arg5 : memref<400xi32, #tpu.memory_space<vmem>>) semaphore(%arg11 : memref<!tpu.dma_semaphore, #tpu.memory_space<semaphore_mem>>)
    %dma_wait3A_305 = arith.constant 0 : i32
    %dma_wait3A_306 = arith.constant 0 : i32
    %dma_wait3A_307 = tpu.memref_slice %arg3[%dma_wait3A_305, %dma_wait3A_306] : memref<100000x128xf32, #tpu.memory_space<hbm>> -> memref<100000x128xf32, #tpu.memory_space<hbm>>
    tpu.wait_indirect_dma semaphore(%arg12 : memref<!tpu.dma_semaphore, #tpu.memory_space<semaphore_mem>>) src(%dma_wait3A_307 : memref<100000x128xf32, #tpu.memory_space<hbm>>) dst(%arg8 : memref<400x128xf32, #tpu.memory_space<vmem>>)
    %add3A_308 = arith.constant 5200 : i32
    %add3A_309 = arith.addi %mul3A_2, %add3A_308 : i32
    %dma_start3A_310 = arith.constant 0 : i32
    %dma_start3A_311 = tpu.memref_slice %arg4[%add3A_309, %dma_start3A_310] : memref<204800x128xf32, #tpu.memory_space<hbm>> -> memref<400x128xf32, #tpu.memory_space<hbm>>
    %dma_start3A_312 = arith.constant 0 : i32
    %dma_start3A_313 = tpu.memref_slice %arg4[%add3A_309, %dma_start3A_312] : memref<204800x128xf32, #tpu.memory_space<hbm>> -> memref<400x128xf32, #tpu.memory_space<hbm>>
    tpu.enqueue_dma source(%arg8 : memref<400x128xf32, #tpu.memory_space<vmem>>) target(%dma_start3A_313 : memref<400x128xf32, #tpu.memory_space<hbm>>) target_semaphore(%arg14 : memref<!tpu.dma_semaphore, #tpu.memory_space<semaphore_mem>>)
    %add3A_314 = arith.constant 6000 : i32
    %add3A_315 = arith.addi %mul3A_2, %add3A_314 : i32
    %dma_start3A_316 = tpu.memref_slice %arg2[%add3A_315] : memref<204800xi32, #tpu.memory_space<hbm>> -> memref<400xi32, #tpu.memory_space<hbm>>
    %dma_start3A_317 = tpu.memref_slice %arg2[%add3A_315] : memref<204800xi32, #tpu.memory_space<hbm>> -> memref<400xi32, #tpu.memory_space<hbm>>
    tpu.enqueue_dma source(%dma_start3A_317 : memref<400xi32, #tpu.memory_space<hbm>>) target(%arg6 : memref<400xi32, #tpu.memory_space<vmem>>) target_semaphore(%arg10 : memref<!tpu.dma_semaphore, #tpu.memory_space<semaphore_mem>>)
    %dma_wait3A_318 = tpu.memref_slice %arg2[%add3A_315] : memref<204800xi32, #tpu.memory_space<hbm>> -> memref<400xi32, #tpu.memory_space<hbm>>
    %dma_wait3A_319 = tpu.memref_slice %arg2[%add3A_315] : memref<204800xi32, #tpu.memory_space<hbm>> -> memref<400xi32, #tpu.memory_space<hbm>>
    tpu.wait_dma2 semaphore(%arg10 : memref<!tpu.dma_semaphore, #tpu.memory_space<semaphore_mem>>) src(%dma_wait3A_319 : memref<400xi32, #tpu.memory_space<hbm>>) dst(%arg6 : memref<400xi32, #tpu.memory_space<vmem>>)
    %dma_wait3A_320 = arith.constant 0 : i32
    %dma_wait3A_321 = tpu.memref_slice %arg4[%add3A_309, %dma_wait3A_320] : memref<204800x128xf32, #tpu.memory_space<hbm>> -> memref<400x128xf32, #tpu.memory_space<hbm>>
    %dma_wait3A_322 = arith.constant 0 : i32
    %dma_wait3A_323 = tpu.memref_slice %arg4[%add3A_309, %dma_wait3A_322] : memref<204800x128xf32, #tpu.memory_space<hbm>> -> memref<400x128xf32, #tpu.memory_space<hbm>>
    tpu.wait_dma2 semaphore(%arg14 : memref<!tpu.dma_semaphore, #tpu.memory_space<semaphore_mem>>) src(%arg8 : memref<400x128xf32, #tpu.memory_space<vmem>>) dst(%dma_wait3A_323 : memref<400x128xf32, #tpu.memory_space<hbm>>)
    %dma_start3A_324 = arith.constant 0 : i32
    %dma_start3A_325 = arith.constant 0 : i32
    %dma_start3A_326 = tpu.memref_slice %arg3[%dma_start3A_324, %dma_start3A_325] : memref<100000x128xf32, #tpu.memory_space<hbm>> -> memref<100000x128xf32, #tpu.memory_space<hbm>>
    tpu.enqueue_indirect_dma source(%dma_start3A_326 : memref<100000x128xf32, #tpu.memory_space<hbm>>) target(%arg8 : memref<400x128xf32, #tpu.memory_space<vmem>>) offsets(%arg6 : memref<400xi32, #tpu.memory_space<vmem>>) semaphore(%arg12 : memref<!tpu.dma_semaphore, #tpu.memory_space<semaphore_mem>>)
    %dma_wait3A_327 = arith.constant 0 : i32
    %dma_wait3A_328 = arith.constant 0 : i32
    %dma_wait3A_329 = tpu.memref_slice %arg3[%dma_wait3A_327, %dma_wait3A_328] : memref<100000x128xf32, #tpu.memory_space<hbm>> -> memref<100000x128xf32, #tpu.memory_space<hbm>>
    tpu.wait_indirect_dma semaphore(%arg11 : memref<!tpu.dma_semaphore, #tpu.memory_space<semaphore_mem>>) src(%dma_wait3A_329 : memref<100000x128xf32, #tpu.memory_space<hbm>>) dst(%arg7 : memref<400x128xf32, #tpu.memory_space<vmem>>)
    %add3A_330 = arith.constant 5600 : i32
    %add3A_331 = arith.addi %mul3A_2, %add3A_330 : i32
    %dma_start3A_332 = arith.constant 0 : i32
    %dma_start3A_333 = tpu.memref_slice %arg4[%add3A_331, %dma_start3A_332] : memref<204800x128xf32, #tpu.memory_space<hbm>> -> memref<400x128xf32, #tpu.memory_space<hbm>>
    %dma_start3A_334 = arith.constant 0 : i32
    %dma_start3A_335 = tpu.memref_slice %arg4[%add3A_331, %dma_start3A_334] : memref<204800x128xf32, #tpu.memory_space<hbm>> -> memref<400x128xf32, #tpu.memory_space<hbm>>
    tpu.enqueue_dma source(%arg7 : memref<400x128xf32, #tpu.memory_space<vmem>>) target(%dma_start3A_335 : memref<400x128xf32, #tpu.memory_space<hbm>>) target_semaphore(%arg13 : memref<!tpu.dma_semaphore, #tpu.memory_space<semaphore_mem>>)
    %dma_wait3A_336 = arith.constant 0 : i32
    %dma_wait3A_337 = arith.constant 0 : i32
    %dma_wait3A_338 = tpu.memref_slice %arg3[%dma_wait3A_336, %dma_wait3A_337] : memref<100000x128xf32, #tpu.memory_space<hbm>> -> memref<100000x128xf32, #tpu.memory_space<hbm>>
    tpu.wait_indirect_dma semaphore(%arg12 : memref<!tpu.dma_semaphore, #tpu.memory_space<semaphore_mem>>) src(%dma_wait3A_338 : memref<100000x128xf32, #tpu.memory_space<hbm>>) dst(%arg8 : memref<400x128xf32, #tpu.memory_space<vmem>>)
    %add3A_339 = arith.constant 6000 : i32
    %add3A_340 = arith.addi %mul3A_2, %add3A_339 : i32
    %dma_start3A_341 = arith.constant 0 : i32
    %dma_start3A_342 = tpu.memref_slice %arg4[%add3A_340, %dma_start3A_341] : memref<204800x128xf32, #tpu.memory_space<hbm>> -> memref<400x128xf32, #tpu.memory_space<hbm>>
    %dma_start3A_343 = arith.constant 0 : i32
    %dma_start3A_344 = tpu.memref_slice %arg4[%add3A_340, %dma_start3A_343] : memref<204800x128xf32, #tpu.memory_space<hbm>> -> memref<400x128xf32, #tpu.memory_space<hbm>>
    tpu.enqueue_dma source(%arg8 : memref<400x128xf32, #tpu.memory_space<vmem>>) target(%dma_start3A_344 : memref<400x128xf32, #tpu.memory_space<hbm>>) target_semaphore(%arg14 : memref<!tpu.dma_semaphore, #tpu.memory_space<semaphore_mem>>)
    %dma_wait3A_345 = arith.constant 0 : i32
    %dma_wait3A_346 = tpu.memref_slice %arg4[%add3A_331, %dma_wait3A_345] : memref<204800x128xf32, #tpu.memory_space<hbm>> -> memref<400x128xf32, #tpu.memory_space<hbm>>
    %dma_wait3A_347 = arith.constant 0 : i32
    %dma_wait3A_348 = tpu.memref_slice %arg4[%add3A_331, %dma_wait3A_347] : memref<204800x128xf32, #tpu.memory_space<hbm>> -> memref<400x128xf32, #tpu.memory_space<hbm>>
    tpu.wait_dma2 semaphore(%arg13 : memref<!tpu.dma_semaphore, #tpu.memory_space<semaphore_mem>>) src(%arg7 : memref<400x128xf32, #tpu.memory_space<vmem>>) dst(%dma_wait3A_348 : memref<400x128xf32, #tpu.memory_space<hbm>>)
    %dma_wait3A_349 = arith.constant 0 : i32
    %dma_wait3A_350 = tpu.memref_slice %arg4[%add3A_340, %dma_wait3A_349] : memref<204800x128xf32, #tpu.memory_space<hbm>> -> memref<400x128xf32, #tpu.memory_space<hbm>>
    %dma_wait3A_351 = arith.constant 0 : i32
    %dma_wait3A_352 = tpu.memref_slice %arg4[%add3A_340, %dma_wait3A_351] : memref<204800x128xf32, #tpu.memory_space<hbm>> -> memref<400x128xf32, #tpu.memory_space<hbm>>
    tpu.wait_dma2 semaphore(%arg14 : memref<!tpu.dma_semaphore, #tpu.memory_space<semaphore_mem>>) src(%arg8 : memref<400x128xf32, #tpu.memory_space<vmem>>) dst(%dma_wait3A_352 : memref<400x128xf32, #tpu.memory_space<hbm>>)
    return
  }
}

</mosaic_0001>

<sc_bundles>
// kernel: kernel.3.cloned.1.call-start
scs
__scs_entry_jumppad:
0x0: {  	(pc) =	sbr.rel $0x88, $3  }
0x1: {  	(tag) =	ssettag $0x0;
	lr =	simm.s32 $0x1  }
0x2: {  	[smem:$0x3F9F] =	sst lr;
	_ =	strace $0xD0000000  }
0x3: {  	_ = 	snop  }
0x4: {  	_ = 	snop  }
0x5: {  	_ = 	snop  }
0x6: {  	_ = 	snop  }
0x7: {  	_ = 	snop  }
__scs_overlays_trampoline_lowered:
0x8: {  	[smem:$0x3FAE] =	sst s0  }
0x9: {  	[smem:$0x3FAF] =	sst s1  }
0xa: {  	[smem:$0x3FB0] =	sst s2  }
0xb: {  	[smem:$0x3FB1] =	sst s3  }
0xc: {  	[smem:$0x3FB2] =	sst s4  }
0xd: {  	[smem:$0x3FB3] =	sst s5  }
0xe: {  	[smem:$0x3FB4] =	sst s6  }
0xf: {  	[smem:$0x3FB5] =	sst s7  }
0x10: {  	[smem:$0x3FB6] =	sst s8  }
0x11: {  	[smem:$0x3FB7] =	sst s9;
	s0 =	simm.s32 @!p0 $0x0  }
0x12: {  	s1 =	sld [smem:$0x3F9D];
	s0 =	simm.s32 @p0 $0x1  }
0x13: {  	[smem:$0x3FB8] =	sst s0;
	s0 =	simm.s32 @!p1 $0x0  }
0x14: {  	s2 =	sld [smem:$0x3F9C];
	s0 =	simm.s32 @p1 $0x1  }
0x15: {  	[smem:$0x3FB9] =	sst s0;
	s0 =	simm.s32 @!p2 $0x0  }
0x16: {  	s3 =	sld [smem:$0x3FDB];
	s0 =	simm.s32 @p2 $0x1  }
0x17: {  	s4 =	simm.s32 $0x1BF5;
	[smem:$0x3FBB] =	sst s0  }
0x18: {  	s0 =	sld [smem:$0x3F9E];
	_ =	swait.ge [sflag:s4], $0x0  }
0x19: {  	s7 =	sld [smem:$0x3F9F]  }
0x1a: {  	s8 =	sadd.s32 $0xFFFFE003, lr  }
0x1b: {  	s9 =	sadd.s32 $0xFFFFFEF7, lr;
	s5 =	simm.s32 $0xFFFFFFFF;
	p2 =	slt.u32 s8, $0xFFFFF086  }
0x1c: {  	p1 =	slt.u32 s9, $0xF7A;
	s5 =	simm.s32 @!p2 $0x0  }
0x1d: {  	s5 =	simm.s32 @p1 $0x1;
	p0 =	seq.s32 s7, s2  }
0x1e: {  	s7 =	smul.u32 @!p0 $0xF7A, s2;
	p2 =	seq.s32 @!p0 s5, $0x0  }
0x1f: {  	s9 =	smul.u32 $0xF7A, s1;
	s8 =	simm.s32 @!p0 $0x1BF5;
	p2 =	por !p2, p0  }
0x20: {  	[sflag:s8] =	ssyncset.s32 @!p0 $0xFFFFF086;
	s6 =	sadd.s32 @!p0 s3, s7;
	s7 =	simm.s32 @!p0 $0x108  }
0x21: {  	s3 =	sadd.s32 s3, s9;
	s6 =	sadd.s32 @!p0 $0x88, s6;
	s7 =	simm.s32 @p2 $0x1082  }
0x22: {  	[simem:s7], [sflag:s8] =	dma.local @!p0 [hbm:s6], $0xF7A  }
0x23: {  	s9 =	sor.u32 $0xD0000000, s2;
	s6 =	simm.s32 $0x108;
	_ =	swait.ge @!p0 [sflag:s8], $0x0  }
0x24: {  	s3 =	sadd.s32 $0x88, s3;
	s6 =	simm.s32 @!p1 $0x1082;
	[sflag:s4] =	ssyncset.s32 $0xFFFFF086  }
0x25: {  	[simem:s6], [sflag:s4] =	dma.local [hbm:s3], $0xF7A  }
0x26: {  	[smem:$0x3F9F] =	sst s1;
	(tag) =	ssettag s2;
	_ =	strace s9  }
0x27: {  	s1 =	sld [smem:$0x3FAF]  }
0x28: {  	s2 =	sld [smem:$0x3FB0]  }
0x29: {  	s4 =	sld [smem:$0x3FB2]  }
0x2a: {  	p0 =	seq.s32 s5, $0x0;
	s5 =	sld [smem:$0x3FB3]  }
0x2b: {  	s6 =	sld [smem:$0x3FB4]  }
0x2c: {  	s7 =	sld [smem:$0x3FB5]  }
0x2d: {  	s3 =	simm.s32 $0x108;
	s8 =	sld [smem:$0x3FB6]  }
0x2e: {  	s3 =	simm.s32 @!p0 $0x1082;
	s9 =	sld [smem:$0x3FB7]  }
0x2f: {  	lr =	sadd.s32 s0, s3;
	s0 =	sld [smem:$0x3FAE]  }
0x30: {  	s3 =	sld [smem:$0x3FB1]  }
0x31: {  	[smem:$0x3FBA] =	sst s10  }
0x32: {  	s10 =	sld [smem:$0x3FB8];
	_ =	sdelay $0x3  }
0x33: {  	p0 =	seq.s32 s10, $0x1;
	s10 =	sld [smem:$0x3FBA];
	_ =	sdelay $0x3  }
0x34: {  	[smem:$0x3FBA] =	sst s10  }
0x35: {  	s10 =	sld [smem:$0x3FB9];
	_ =	sdelay $0x3  }
0x36: {  	p1 =	seq.s32 s10, $0x1;
	s10 =	sld [smem:$0x3FBA];
	_ =	sdelay $0x3  }
0x37: {  	[smem:$0x3FBA] =	sst s10  }
0x38: {  	s10 =	sld [smem:$0x3FBB]  }
0x39: {  	_ = 	snop;
	(pc) =	sbr.ind lr, $3  }
0x3a: {  	_ = 	snop  }
0x3b: {  	_ = 	snop  }
0x3c: {  	p2 =	seq.s32 s10, $0x1;
	s10 =	sld [smem:$0x3FBA]  }
0x3d: {  	_ =	shalt  }
0x3e: {  	_ =	shalt  }
0x3f: {  	_ =	shalt  }
0x40: {  	_ =	shalt  }
0x41: {  	_ =	shalt  }
0x42: {  	_ =	shalt  }
0x43: {  	_ =	shalt  }
0x44: {  	_ =	shalt  }
0x45: {  	_ =	shalt  }
0x46: {  	_ =	shalt  }
0x47: {  	_ =	shalt  }
0x48: {  	_ =	shalt  }
0x49: {  	_ =	shalt  }
0x4a: {  	_ =	shalt  }
0x4b: {  	_ =	shalt  }
0x4c: {  	_ =	shalt  }
0x4d: {  	_ =	shalt  }
0x4e: {  	_ =	shalt  }
0x4f: {  	_ =	shalt  }
0x50: {  	_ =	shalt  }
0x51: {  	_ =	shalt  }
0x52: {  	_ =	shalt  }
0x53: {  	_ =	shalt  }
0x54: {  	_ =	shalt  }
0x55: {  	_ =	shalt  }
0x56: {  	_ =	shalt  }
0x57: {  	_ =	shalt  }
0x58: {  	_ =	shalt  }
0x59: {  	_ =	shalt  }
0x5a: {  	_ =	shalt  }
0x5b: {  	_ =	shalt  }
0x5c: {  	_ =	shalt  }
0x5d: {  	_ =	shalt  }
0x5e: {  	_ =	shalt  }
0x5f: {  	_ =	shalt  }
0x60: {  	_ =	shalt  }
0x61: {  	_ =	shalt  }
0x62: {  	_ =	shalt  }
0x63: {  	_ =	shalt  }
0x64: {  	_ =	shalt  }
0x65: {  	_ =	shalt  }
0x66: {  	_ =	shalt  }
0x67: {  	_ =	shalt  }
0x68: {  	_ =	shalt  }
0x69: {  	_ =	shalt  }
0x6a: {  	_ =	shalt  }
0x6b: {  	_ =	shalt  }
0x6c: {  	_ =	shalt  }
0x6d: {  	_ =	shalt  }
0x6e: {  	_ =	shalt  }
0x6f: {  	_ =	shalt  }
0x70: {  	_ =	shalt  }
0x71: {  	_ =	shalt  }
0x72: {  	_ =	shalt  }
0x73: {  	_ =	shalt  }
0x74: {  	_ =	shalt  }
0x75: {  	_ =	shalt  }
0x76: {  	_ =	shalt  }
0x77: {  	_ =	shalt  }
0x78: {  	_ =	shalt  }
0x79: {  	_ =	shalt  }
0x7a: {  	_ =	shalt  }
0x7b: {  	_ =	shalt  }
0x7c: {  	_ =	shalt  }
0x7d: {  	_ =	shalt  }
0x7e: {  	_ =	shalt  }
0x7f: {  	_ =	shalt  }
0x80: {  	_ =	shalt  }
0x81: {  	_ =	shalt  }
0x82: {  	_ =	shalt  }
0x83: {  	_ =	shalt  }
0x84: {  	_ =	shalt  }
0x85: {  	_ =	shalt  }
0x86: {  	_ =	shalt  }
0x87: {  	_ =	shalt  }
.Lfunc_end0:
.L_simem_size_0:
called_computation_lowered:
.L_overlay_start_0:
0x88: {  	s2 =	sld [smem:$0x3FD9]  }
0x89: {  	s3 =	sld [smem:$0x3FFE];
	_ =	sdelay $0x1  }
0x8a: {  	s1 =	srdreg.scid  }
0x8b: {  	s0 =	sand.u32 $0x1, s1  }
0x8c: {  	s17 =	sshll.u32 s0, $0xA;
	s2 =	sadd.s32 s3, s2  }
0x8d: {  	s2 =	sadd.s32 s2, s17  }
0x8e: {  	[smem:$0x3FC6] =	sst s2  }
0x8f: {  	_ = 	snop  }
0x90: {  	s2 =	sld [smem:$0x3FC8]  }
0x91: {  	s18 =	sld [smem:$0x3FD0];
	(tm) =	ssettm $0x1  }
0x92: {  	s4 =	sld [smem:$0x3FFB];
	_ =	sdelay $0x3  }
0x93: {  	_ =	strace s4  }
0x94: {  	s4 =	sld [smem:$0x3FFC];
	_ =	sdelay $0x3  }
0x95: {  	_ =	strace s4  }
0x96: {  	s4 =	sld [smem:$0x3FFD];
	_ =	sdelay $0x3  }
0x97: {  	_ =	strace s4  }
0x98: {  	_ =	strace $0x8FFFFFFF  }
0x99: {  	s19 =	sld [smem:$0x3FDB];
	_ =	sdelay $0x1  }
0x9a: {  	s5 =	simm.s32 $_scs_section_size  }
0x9b: {  	s6 =	simm.s32 $_size__tile_overlayer_lowered;
	s7 =	simm.s32 $_tile_overlayer_lowered  }
0x9c: {  	s22 =	simm.s32 $0x1BFF;
	s21 =	sshll.u32 s7, $0x1;
	s4 =	sadd.s32 s5, s19  }
0x9d: {  	s8 =	simm.s32 $0x0;
	s20 =	sshll.u32 s6, $0x1;
	s6 =	sadd.s32 s21, s4  }
0x9e: {  	[timem:s8], [sflag:s22] =	dma.local [hbm:s6], s20  }
0x9f: {  	_ =	swait.ge [sflag:s22], s20  }
0xa0: {  	s5 =	ssub.s32 $0x0, s20;
	[sflag:s22] =	ssyncset.done $0x0  }
0xa1: {  	[sflag:s22] =	ssyncadd.s32 s5;
	_ =	sdelay $0x1  }
0xa2: {  	s23 =	simm.s32 $0x1B8B  }
0xa3: {  	_ =	swait.ge [sflag:s23], $0x1  }
0xa4: {  	[sflag:s23] =	ssyncset.done $0x0  }
0xa5: {  	s25 =	simm.s32 $0x1B8E;
	s24 =	sld [smem:$0x3FFE];
	[sflag:s23] =	ssyncadd.s32 $0xFFFFFFFF  }
0xa6: {  	s26 =	simm.s32 $execute0_lowered;
	[smem:$0x3FD2] =	sst s25  }
0xa7: {  	s6 =	sshll.u32 s26, $0x1;
	_ =	strace $0x80000046;
	[dreg:$0x1] =	wrdreg $0xFFFFFFFF  }
0xa8: {  	s28 =	simm.s32 $_size_execute0_lowered;
	s4 =	sadd.s32 s4, s6;
	[dreg:$0x0] =	wrdreg $0x0  }
0xa9: {  	s6 =	sshll.u32 s28, $0x1;
	[dreg:$0x2] =	wrdreg s4  }
0xaa: {  	[dreg:$0x3] =	wrdreg s6  }
0xab: {  	[dreg:$0x4] =	wrdreg $0xC0  }
0xac: {  	_ =	task [dreg:s8], $0x5FFFF  }
0xad: {  	[dreg:$0x1] =	wrdreg $0xFFFFFFFF  }
0xae: {  	[dreg:$0x0] =	wrdreg $0x60  }
0xaf: {  	[dreg:$0x2] =	wrdreg s24  }
0xb0: {  	[dreg:$0x3] =	wrdreg s2  }
0xb1: {  	[dreg:$0x4] =	wrdreg s18  }
0xb2: {  	[dreg:$0x5] =	wrdreg $0x9  }
0xb3: {  	_ =	task.clear_ibuf [dreg:s8], $0x6FFFF;
	_ =	strace $0x90000046  }
0xb4: {  	s29 =	simm.s32 $0x9;
	_ =	strace $0x80000048  }
0xb5: {  	_ =	swait.ge [sflag:s29], $0x1  }
0xb6: {  	[sflag:s29] =	ssyncadd.s32 $0xFFFFFFFF  }
0xb7: {  	_ =	strace $0x90000048  }
0xb8: {  	_ =	sfence  }
0xb9: {  	s30 =	sld [smem:$0x0];
	_ =	sdelay $0x2  }
0xba: {  	s31 =	sshll.u32 s1, $0xD;
	s1 =	sshrl.u32 s1, $0x2  }
0xbb: {  	s3 =	sand.u32 $0x4000, s31;
	s1 =	sadd.s32 s1, s30  }
0xbc: {  	s0 =	sor.u32 s3, s0;
	s1 =	sshll.u32 s1, $0x11  }
0xbd: {  	s0 =	sor.u32 s1, s0  }
0xbe: {  	s0 =	sadd.s32 $0x8F2B, s0  }
0xbf: {  	[sflag:s0] =	ssyncadd.remote.s32 $0x1  }
0xc0: {  	_ =	sfence.sel $0xFFFF  }
0xc1: {  	[dreg:$0x0] =	wrdreg $0xFFFFFFFF;
	(pc) =	sbr.abs _section_cstart, $3  }
0xc2: {  	[dreg:$0x1] =	wrdreg $0xFFFFFFFF  }
0xc3: {  	_ =	task.clear_ibuf [dreg:s8], $0x2FFFF;
	_ =	strace $0x9FFFFFFF  }
0xc4: {  	(tm) =	ssettm $0x7FFFFFFF  }
0xc5: {  	_ =	shalt  }
tec
execute0_lowered:
.L_overlay_start_1:
0x0: {  	(tag) =	ssettag $0x1  }
0x1: {  	s0 =	rddreg [dreg:$0x0]  }
0x2: {  	s3 =	rddreg [dreg:$0x1];
	s2 =	srdreg.scid  }
0x3: {  	s4 =	stileid.u32;
	s1 =	rddreg [dreg:$0x2];
	p0 =	por $0x0, $0x0  }
0x4: {  	s31 =	simm.s32 $0x6;
	s6 =	sand.u32 $0x1, s2;
	s4 =	sshll.u32 s4, $0x1  }
0x5: {  	s2 =	simm.s32 $0x0;
	s11 =	sadd.s32 $0x400, s0;
	s7 =	sor.u32 s6, s4  }
0x6: {  	[smem:$0x7FF] =	sst s2;
	s6 =	ssub.s32 $0x2, s6;
	s5 =	smul.u32 $0x1900, s7  }
0x7: {  	_ =	strace $0x80000047;
	s7 =	smul.u32 $0x19000, s7;
	s18 =	sshrl.u32 s6, $0x1  }
0x8: {  	s6 =	ssub.s32 s6, s18;
	s26 =	sshrl.u32 s5, $0x3;
	s8 =	sadd.s32 $0x190, s5  }
0x9: {  	s7 =	sadd.s32 s1, s7;
	s12 =	sadd.s32 $0x4B0, s5;
	s17 =	sadd.s32 $0x640, s5  }
0xa: {  	s24 =	sadd.s32 $0x960, s5;
	s0 =	sadd.s32 s11, s26;
	s9 =	sshrl.u32 s8, $0x3  }
0xb: {  	[dreg:$0x6] =	wrdreg s7;
	s8 =	sshll.u32 s8, $0x4;
	s14 =	sshrl.u32 s12, $0x3  }
0xc: {  	s19 =	sshrl.u32 s17, $0x3;
	s25 =	sshrl.u32 s24, $0x3;
	[dreg:$0x4] =	wrdreg s0  }
0xd: {  	s4 =	sadd.s32 s11, s9;
	s9 =	sadd.s32 $0x320, s5;
	s13 =	sadd.s32 s1, s8  }
0xe: {  	s15 =	sadd.s32 s11, s14;
	s14 =	sadd.s32 $0xC80, s5;
	[dreg:$0x5] =	wrdreg s4  }
0xf: {  	s10 =	sshrl.u32 s9, $0x3;
	[dreg:$0x8] =	wrdreg s13;
	s7 =	sshll.u32 s9, $0x4  }
0x10: {  	[dreg:$0x9] =	wrdreg s15;
	s9 =	sshll.u32 s12, $0x4;
	s4 =	sadd.s32 $0xAF0, s5  }
0x11: {  	s15 =	sshrl.u32 s14, $0x3;
	s0 =	sadd.s32 s11, s10;
	s16 =	sadd.s32 s1, s7  }
0x12: {  	s10 =	sadd.s32 $0x7D0, s5;
	s20 =	sadd.s32 s1, s9;
	s7 =	sshll.u32 s17, $0x4  }
0x13: {  	s17 =	sadd.s32 $0xE10, s5;
	s9 =	sadd.s32 $0x12C0, s5;
	[dreg:$0x7] =	wrdreg s0  }
0x14: {  	[dreg:$0xa] =	wrdreg s16;
	s0 =	sadd.s32 s11, s19;
	s21 =	sshrl.u32 s10, $0x3  }
0x15: {  	[dreg:$0xc] =	wrdreg s20;
	s23 =	sadd.s32 s1, s7;
	s26 =	sshll.u32 s10, $0x4  }
0x16: {  	s10 =	sshrl.u32 s4, $0x3;
	s7 =	sshll.u32 s24, $0x4;
	s16 =	sshll.u32 s4, $0x4  }
0x17: {  	s4 =	sadd.s32 s11, s15;
	s18 =	sshrl.u32 s17, $0x3;
	[dreg:$0xb] =	wrdreg s0  }
0x18: {  	s19 =	sadd.s32 $0xFA0, s5;
	s22 =	sadd.s32 s11, s21;
	[dreg:$0xe] =	wrdreg s23  }
0x19: {  	s0 =	sadd.s32 s11, s25;
	s8 =	sadd.s32 s1, s26;
	s12 =	sadd.s32 s11, s10  }
0x1a: {  	s13 =	sadd.s32 s1, s7;
	s29 =	sadd.s32 s1, s16;
	s7 =	sshll.u32 s14, $0x4  }
0x1b: {  	s30 =	sadd.s32 s11, s18;
	s20 =	sshrl.u32 s19, $0x3;
	[dreg:$0xd] =	wrdreg s22  }
0x1c: {  	s21 =	sadd.s32 $0x1130, s5;
	s23 =	sshll.u32 s19, $0x4;
	[dreg:$0xf] =	wrdreg s0  }
0x1d: {  	s10 =	sshrl.u32 s9, $0x3;
	s14 =	sadd.s32 $0x15E0, s5;
	[dreg:$0x10] =	wrdreg s8  }
0x1e: {  	s18 =	sadd.s32 $0x1770, s5;
	s19 =	smax.u32 s6, $0x1;
	[dreg:$0x11] =	wrdreg s12  }
0x1f: {  	[dreg:$0x12] =	wrdreg s13;
	s26 =	sadd.s32 s1, s7;
	s28 =	sadd.s32 s11, s20  }
0x20: {  	s0 =	sshll.u32 s17, $0x4;
	s22 =	sshrl.u32 s21, $0x3;
	s8 =	sadd.s32 s1, s23  }
0x21: {  	s7 =	sshll.u32 s21, $0x4;
	s12 =	sadd.s32 $0x1450, s5;
	s23 =	sadd.s32 s11, s10  }
0x22: {  	s15 =	sshrl.u32 s14, $0x3;
	s5 =	sshrl.u32 s18, $0x3;
	s10 =	simm.s32 $0x200  }
0x23: {  	s21 =	simm.s32 $0x1;
	p1 =	sne.s32 s19, $0x1;
	s6 =	sadd.s32 $0xFFFFFFFF, s19  }
0x24: {  	s24 =	sadd.s32 s1, s0;
	s25 =	sadd.s32 s11, s22;
	[dreg:$0x15] =	wrdreg s8  }
0x25: {  	s7 =	sadd.s32 s1, s7;
	s13 =	sshrl.u32 s12, $0x3;
	s0 =	sshll.u32 s9, $0x4  }
0x26: {  	s16 =	sshll.u32 s12, $0x4;
	s20 =	sadd.s32 s11, s15;
	s8 =	sshll.u32 s14, $0x4  }
0x27: {  	s22 =	sadd.s32 s11, s5;
	s12 =	simm.s32 $0x190;
	s15 =	simm.s32 $0x3  }
.Ltmp0:
0x28: {  	s9 =	simm.s32 $0x5;
	s14 =	simm.s32 $0x4;
	(pc) =	sbr.rel @!p1 .LBB2_3-.Ltmp0, $4  }
0x29: {  	[dreg:$0x14] =	wrdreg s7;
	s7 =	sadd.s32 s11, s13;
	s17 =	sadd.s32 s1, s0  }
0x2a: {  	s13 =	sadd.s32 s1, s16;
	s0 =	sshll.u32 s18, $0x4;
	s18 =	simm.s32 $0x2  }
0x2b: {  	s11 =	simm.s32 $0xCC00;
	[dreg:$0x16] =	wrdreg s7;
	s7 =	sadd.s32 s1, s8  }
0x2c: {  	s5 =	sadd.s32 s1, s0;
	s8 =	simm.s32 $0x400;
	s0 =	rddreg [dreg:$0x4]  }
0x2d: {  	[tilespmem:s2], [sflag:$0x1] =	stream.linear.gather [hbm4b:s0+s2], $0x190, $0x38;
	[tilespmem:$0x19400] =	vst v63  }
0x2e: {  	s1 =	rddreg [dreg:$0x5]  }
0x2f: {  	[tilespmem:s10], [sflag:$0x2] =	stream.linear.gather [hbm4b:s1+s2], $0x190, $0x38;
	[tilespmem:$0x19400] =	vst v63  }
0x30: {  	_ =	swait.ge [sflag:s21], $0x190  }
0x31: {  	[sflag:s21] =	ssyncset.done $0x0  }
0x32: {  	[sflag:s21] =	ssyncadd.s32 $0xFFFFFE70  }
0x33: {  	[tilespmem:s8], [sflag:$0x3] =	stream.indirect.gather [hbm4b:s3+s12], $0x80, s2, s12, $0xb8;
	[tilespmem:$0x19400] =	vst v63  }
0x34: {  	_ =	swait.ge [sflag:s18], $0x190  }
0x35: {  	[sflag:s18] =	ssyncset.done $0x0  }
0x36: {  	[sflag:s18] =	ssyncadd.s32 $0xFFFFFE70  }
0x37: {  	[tilespmem:s11], [sflag:$0x4] =	stream.indirect.gather [hbm4b:s3+s12], $0x80, s10, s12, $0xb8;
	[tilespmem:$0x19400] =	vst v63  }
0x38: {  	_ =	swait.ge [sflag:s15], $0xC800  }
0x39: {  	[sflag:s15] =	ssyncset.done $0x0  }
0x3a: {  	s16 =	rddreg [dreg:$0x6];
	[sflag:s15] =	ssyncadd.s32 $0xFFFF3800  }
0x3b: {  	[hbm4b:s16+s2] =	stream.linear.scatter [tilespmem:s8], [sflag:$0x5], $0xC800, $0x38;
	[tilespmem:$0x19400] =	vst v63  }
0x3c: {  	s19 =	rddreg [dreg:$0x7]  }
0x3d: {  	[tilespmem:s2], [sflag:$0x1] =	stream.linear.gather [hbm4b:s19+s2], $0x190, $0x38;
	[tilespmem:$0x19400] =	vst v63  }
0x3e: {  	_ =	swait.ge [sflag:s21], $0x190  }
0x3f: {  	[sflag:s21] =	ssyncset.done $0x0  }
0x40: {  	[sflag:s21] =	ssyncadd.s32 $0xFFFFFE70  }
0x41: {  	_ =	swait.ge [sflag:s9], $0xC800  }
0x42: {  	[sflag:s9] =	ssyncset.done $0x0  }
0x43: {  	[sflag:s9] =	ssyncadd.s32 $0xFFFF3800  }
0x44: {  	[tilespmem:s8], [sflag:$0x3] =	stream.indirect.gather [hbm4b:s3+s12], $0x80, s2, s12, $0xb8;
	[tilespmem:$0x19400] =	vst v63  }
0x45: {  	_ =	swait.ge [sflag:s14], $0xC800  }
0x46: {  	[sflag:s14] =	ssyncset.done $0x0  }
0x47: {  	s16 =	rddreg [dreg:$0x8];
	[sflag:s14] =	ssyncadd.s32 $0xFFFF3800  }
0x48: {  	[hbm4b:s16+s2] =	stream.linear.scatter [tilespmem:s11], [sflag:$0x6], $0xC800, $0x38;
	[tilespmem:$0x19400] =	vst v63  }
0x49: {  	s19 =	rddreg [dreg:$0x9]  }
0x4a: {  	[tilespmem:s10], [sflag:$0x2] =	stream.linear.gather [hbm4b:s19+s2], $0x190, $0x38;
	[tilespmem:$0x19400] =	vst v63  }
0x4b: {  	_ =	swait.ge [sflag:s18], $0x190  }
0x4c: {  	[sflag:s18] =	ssyncset.done $0x0  }
0x4d: {  	[sflag:s18] =	ssyncadd.s32 $0xFFFFFE70  }
0x4e: {  	_ =	swait.ge [sflag:s31], $0xC800  }
0x4f: {  	[sflag:s31] =	ssyncset.done $0x0  }
0x50: {  	[sflag:s31] =	ssyncadd.s32 $0xFFFF3800  }
0x51: {  	[tilespmem:s11], [sflag:$0x4] =	stream.indirect.gather [hbm4b:s3+s12], $0x80, s10, s12, $0xb8;
	[tilespmem:$0x19400] =	vst v63  }
0x52: {  	_ =	swait.ge [sflag:s15], $0xC800  }
0x53: {  	[sflag:s15] =	ssyncset.done $0x0  }
0x54: {  	s16 =	rddreg [dreg:$0xa];
	[sflag:s15] =	ssyncadd.s32 $0xFFFF3800  }
0x55: {  	[hbm4b:s16+s2] =	stream.linear.scatter [tilespmem:s8], [sflag:$0x5], $0xC800, $0x38;
	[tilespmem:$0x19400] =	vst v63  }
0x56: {  	s19 =	rddreg [dreg:$0xb]  }
0x57: {  	[tilespmem:s2], [sflag:$0x1] =	stream.linear.gather [hbm4b:s19+s2], $0x190, $0x38;
	[tilespmem:$0x19400] =	vst v63  }
0x58: {  	_ =	swait.ge [sflag:s21], $0x190  }
0x59: {  	[sflag:s21] =	ssyncset.done $0x0  }
0x5a: {  	[sflag:s21] =	ssyncadd.s32 $0xFFFFFE70  }
0x5b: {  	_ =	swait.ge [sflag:s9], $0xC800  }
0x5c: {  	[sflag:s9] =	ssyncset.done $0x0  }
0x5d: {  	[sflag:s9] =	ssyncadd.s32 $0xFFFF3800  }
0x5e: {  	[tilespmem:s8], [sflag:$0x3] =	stream.indirect.gather [hbm4b:s3+s12], $0x80, s2, s12, $0xb8;
	[tilespmem:$0x19400] =	vst v63  }
0x5f: {  	_ =	swait.ge [sflag:s14], $0xC800  }
0x60: {  	[sflag:s14] =	ssyncset.done $0x0  }
0x61: {  	s16 =	rddreg [dreg:$0xc];
	[sflag:s14] =	ssyncadd.s32 $0xFFFF3800  }
0x62: {  	[hbm4b:s16+s2] =	stream.linear.scatter [tilespmem:s11], [sflag:$0x6], $0xC800, $0x38;
	[tilespmem:$0x19400] =	vst v63  }
0x63: {  	s19 =	rddreg [dreg:$0xd]  }
0x64: {  	[tilespmem:s10], [sflag:$0x2] =	stream.linear.gather [hbm4b:s19+s2], $0x190, $0x38;
	[tilespmem:$0x19400] =	vst v63  }
0x65: {  	_ =	swait.ge [sflag:s18], $0x190  }
0x66: {  	[sflag:s18] =	ssyncset.done $0x0  }
0x67: {  	[sflag:s18] =	ssyncadd.s32 $0xFFFFFE70  }
0x68: {  	_ =	swait.ge [sflag:s31], $0xC800  }
0x69: {  	[sflag:s31] =	ssyncset.done $0x0  }
0x6a: {  	[sflag:s31] =	ssyncadd.s32 $0xFFFF3800  }
0x6b: {  	[tilespmem:s11], [sflag:$0x4] =	stream.indirect.gather [hbm4b:s3+s12], $0x80, s10, s12, $0xb8;
	[tilespmem:$0x19400] =	vst v63  }
0x6c: {  	_ =	swait.ge [sflag:s15], $0xC800  }
0x6d: {  	[sflag:s15] =	ssyncset.done $0x0  }
0x6e: {  	s16 =	rddreg [dreg:$0xe];
	[sflag:s15] =	ssyncadd.s32 $0xFFFF3800  }
0x6f: {  	[hbm4b:s16+s2] =	stream.linear.scatter [tilespmem:s8], [sflag:$0x5], $0xC800, $0x38;
	[tilespmem:$0x19400] =	vst v63  }
0x70: {  	s19 =	rddreg [dreg:$0xf]  }
0x71: {  	[tilespmem:s2], [sflag:$0x1] =	stream.linear.gather [hbm4b:s19+s2], $0x190, $0x38;
	[tilespmem:$0x19400] =	vst v63  }
0x72: {  	_ =	swait.ge [sflag:s21], $0x190  }
0x73: {  	[sflag:s21] =	ssyncset.done $0x0  }
0x74: {  	[sflag:s21] =	ssyncadd.s32 $0xFFFFFE70  }
0x75: {  	_ =	swait.ge [sflag:s9], $0xC800  }
0x76: {  	[sflag:s9] =	ssyncset.done $0x0  }
0x77: {  	[sflag:s9] =	ssyncadd.s32 $0xFFFF3800  }
0x78: {  	[tilespmem:s8], [sflag:$0x3] =	stream.indirect.gather [hbm4b:s3+s12], $0x80, s2, s12, $0xb8;
	[tilespmem:$0x19400] =	vst v63  }
0x79: {  	_ =	swait.ge [sflag:s14], $0xC800  }
0x7a: {  	[sflag:s14] =	ssyncset.done $0x0  }
0x7b: {  	s1 =	rddreg [dreg:$0x10];
	[sflag:s14] =	ssyncadd.s32 $0xFFFF3800  }
0x7c: {  	[hbm4b:s1+s2] =	stream.linear.scatter [tilespmem:s11], [sflag:$0x6], $0xC800, $0x38;
	[tilespmem:$0x19400] =	vst v63  }
0x7d: {  	s16 =	rddreg [dreg:$0x11]  }
0x7e: {  	[tilespmem:s10], [sflag:$0x2] =	stream.linear.gather [hbm4b:s16+s2], $0x190, $0x38;
	[tilespmem:$0x19400] =	vst v63  }
0x7f: {  	_ =	swait.ge [sflag:s18], $0x190  }
0x80: {  	[sflag:s18] =	ssyncset.done $0x0  }
0x81: {  	[sflag:s18] =	ssyncadd.s32 $0xFFFFFE70  }
0x82: {  	_ =	swait.ge [sflag:s31], $0xC800  }
0x83: {  	[sflag:s31] =	ssyncset.done $0x0  }
0x84: {  	[sflag:s31] =	ssyncadd.s32 $0xFFFF3800  }
0x85: {  	[tilespmem:s11], [sflag:$0x4] =	stream.indirect.gather [hbm4b:s3+s12], $0x80, s10, s12, $0xb8;
	[tilespmem:$0x19400] =	vst v63  }
0x86: {  	_ =	swait.ge [sflag:s15], $0xC800  }
0x87: {  	[sflag:s15] =	ssyncset.done $0x0  }
0x88: {  	s19 =	rddreg [dreg:$0x12];
	[sflag:s15] =	ssyncadd.s32 $0xFFFF3800  }
0x89: {  	[hbm4b:s19+s2] =	stream.linear.scatter [tilespmem:s8], [sflag:$0x5], $0xC800, $0x38;
	[tilespmem:$0x19400] =	vst v63  }
0x8a: {  	_ = 	snop  }
0x8b: {  	[tilespmem:s2], [sflag:$0x1] =	stream.linear.gather [hbm4b:s4+s2], $0x190, $0x38;
	[tilespmem:$0x19400] =	vst v63  }
0x8c: {  	_ =	swait.ge [sflag:s21], $0x190  }
0x8d: {  	[sflag:s21] =	ssyncset.done $0x0  }
0x8e: {  	[sflag:s21] =	ssyncadd.s32 $0xFFFFFE70  }
0x8f: {  	_ =	swait.ge [sflag:s9], $0xC800  }
0x90: {  	[sflag:s9] =	ssyncset.done $0x0  }
0x91: {  	[sflag:s9] =	ssyncadd.s32 $0xFFFF3800  }
0x92: {  	[tilespmem:s8], [sflag:$0x3] =	stream.indirect.gather [hbm4b:s3+s12], $0x80, s2, s12, $0xb8;
	[tilespmem:$0x19400] =	vst v63  }
0x93: {  	_ =	swait.ge [sflag:s14], $0xC800  }
0x94: {  	[sflag:s14] =	ssyncset.done $0x0  }
0x95: {  	[sflag:s14] =	ssyncadd.s32 $0xFFFF3800  }
0x96: {  	[hbm4b:s29+s2] =	stream.linear.scatter [tilespmem:s11], [sflag:$0x6], $0xC800, $0x38;
	[tilespmem:$0x19400] =	vst v63  }
0x97: {  	_ = 	snop  }
0x98: {  	[tilespmem:s10], [sflag:$0x2] =	stream.linear.gather [hbm4b:s30+s2], $0x190, $0x38;
	[tilespmem:$0x19400] =	vst v63  }
0x99: {  	_ =	swait.ge [sflag:s18], $0x190  }
0x9a: {  	[sflag:s18] =	ssyncset.done $0x0  }
0x9b: {  	[sflag:s18] =	ssyncadd.s32 $0xFFFFFE70  }
0x9c: {  	_ =	swait.ge [sflag:s31], $0xC800  }
0x9d: {  	[sflag:s31] =	ssyncset.done $0x0  }
0x9e: {  	[sflag:s31] =	ssyncadd.s32 $0xFFFF3800  }
0x9f: {  	[tilespmem:s11], [sflag:$0x4] =	stream.indirect.gather [hbm4b:s3+s12], $0x80, s10, s12, $0xb8;
	[tilespmem:$0x19400] =	vst v63  }
0xa0: {  	_ =	swait.ge [sflag:s15], $0xC800  }
0xa1: {  	[sflag:s15] =	ssyncset.done $0x0  }
0xa2: {  	[sflag:s15] =	ssyncadd.s32 $0xFFFF3800  }
0xa3: {  	[hbm4b:s26+s2] =	stream.linear.scatter [tilespmem:s8], [sflag:$0x5], $0xC800, $0x38;
	[tilespmem:$0x19400] =	vst v63  }
0xa4: {  	_ = 	snop  }
0xa5: {  	[tilespmem:s2], [sflag:$0x1] =	stream.linear.gather [hbm4b:s28+s2], $0x190, $0x38;
	[tilespmem:$0x19400] =	vst v63  }
0xa6: {  	_ =	swait.ge [sflag:s21], $0x190  }
0xa7: {  	[sflag:s21] =	ssyncset.done $0x0  }
0xa8: {  	[sflag:s21] =	ssyncadd.s32 $0xFFFFFE70  }
0xa9: {  	_ =	swait.ge [sflag:s9], $0xC800  }
0xaa: {  	[sflag:s9] =	ssyncset.done $0x0  }
0xab: {  	[sflag:s9] =	ssyncadd.s32 $0xFFFF3800  }
0xac: {  	[tilespmem:s8], [sflag:$0x3] =	stream.indirect.gather [hbm4b:s3+s12], $0x80, s2, s12, $0xb8;
	[tilespmem:$0x19400] =	vst v63  }
0xad: {  	_ =	swait.ge [sflag:s14], $0xC800  }
0xae: {  	[sflag:s14] =	ssyncset.done $0x0  }
0xaf: {  	[sflag:s14] =	ssyncadd.s32 $0xFFFF3800  }
0xb0: {  	[hbm4b:s24+s2] =	stream.linear.scatter [tilespmem:s11], [sflag:$0x6], $0xC800, $0x38;
	[tilespmem:$0x19400] =	vst v63  }
0xb1: {  	_ = 	snop  }
0xb2: {  	[tilespmem:s10], [sflag:$0x2] =	stream.linear.gather [hbm4b:s25+s2], $0x190, $0x38;
	[tilespmem:$0x19400] =	vst v63  }
0xb3: {  	_ =	swait.ge [sflag:s18], $0x190  }
0xb4: {  	[sflag:s18] =	ssyncset.done $0x0  }
0xb5: {  	[sflag:s18] =	ssyncadd.s32 $0xFFFFFE70  }
0xb6: {  	_ =	swait.ge [sflag:s31], $0xC800  }
0xb7: {  	[sflag:s31] =	ssyncset.done $0x0  }
0xb8: {  	[sflag:s31] =	ssyncadd.s32 $0xFFFF3800  }
0xb9: {  	[tilespmem:s11], [sflag:$0x4] =	stream.indirect.gather [hbm4b:s3+s12], $0x80, s10, s12, $0xb8;
	[tilespmem:$0x19400] =	vst v63  }
0xba: {  	_ =	swait.ge [sflag:s15], $0xC800  }
0xbb: {  	[sflag:s15] =	ssyncset.done $0x0  }
0xbc: {  	s1 =	rddreg [dreg:$0x15];
	[sflag:s15] =	ssyncadd.s32 $0xFFFF3800  }
0xbd: {  	[hbm4b:s1+s2] =	stream.linear.scatter [tilespmem:s8], [sflag:$0x5], $0xC800, $0x38;
	[tilespmem:$0x19400] =	vst v63  }
0xbe: {  	_ = 	snop  }
0xbf: {  	[tilespmem:s2], [sflag:$0x1] =	stream.linear.gather [hbm4b:s23+s2], $0x190, $0x38;
	[tilespmem:$0x19400] =	vst v63  }
0xc0: {  	_ =	swait.ge [sflag:s21], $0x190  }
0xc1: {  	[sflag:s21] =	ssyncset.done $0x0  }
0xc2: {  	[sflag:s21] =	ssyncadd.s32 $0xFFFFFE70  }
0xc3: {  	_ =	swait.ge [sflag:s9], $0xC800  }
0xc4: {  	[sflag:s9] =	ssyncset.done $0x0  }
0xc5: {  	[sflag:s9] =	ssyncadd.s32 $0xFFFF3800  }
0xc6: {  	[tilespmem:s8], [sflag:$0x3] =	stream.indirect.gather [hbm4b:s3+s12], $0x80, s2, s12, $0xb8;
	[tilespmem:$0x19400] =	vst v63  }
0xc7: {  	_ =	swait.ge [sflag:s14], $0xC800  }
0xc8: {  	[sflag:s14] =	ssyncset.done $0x0  }
0xc9: {  	s16 =	rddreg [dreg:$0x14];
	[sflag:s14] =	ssyncadd.s32 $0xFFFF3800  }
0xca: {  	[hbm4b:s16+s2] =	stream.linear.scatter [tilespmem:s11], [sflag:$0x6], $0xC800, $0x38;
	[tilespmem:$0x19400] =	vst v63  }
0xcb: {  	s19 =	rddreg [dreg:$0x16]  }
0xcc: {  	[tilespmem:s10], [sflag:$0x2] =	stream.linear.gather [hbm4b:s19+s2], $0x190, $0x38;
	[tilespmem:$0x19400] =	vst v63  }
0xcd: {  	_ =	swait.ge [sflag:s18], $0x190  }
0xce: {  	[sflag:s18] =	ssyncset.done $0x0  }
0xcf: {  	[sflag:s18] =	ssyncadd.s32 $0xFFFFFE70  }
0xd0: {  	_ =	swait.ge [sflag:s31], $0xC800  }
0xd1: {  	[sflag:s31] =	ssyncset.done $0x0  }
0xd2: {  	[sflag:s31] =	ssyncadd.s32 $0xFFFF3800  }
0xd3: {  	[tilespmem:s11], [sflag:$0x4] =	stream.indirect.gather [hbm4b:s3+s12], $0x80, s10, s12, $0xb8;
	[tilespmem:$0x19400] =	vst v63  }
0xd4: {  	_ =	swait.ge [sflag:s15], $0xC800  }
0xd5: {  	[sflag:s15] =	ssyncset.done $0x0  }
0xd6: {  	[sflag:s15] =	ssyncadd.s32 $0xFFFF3800  }
0xd7: {  	[hbm4b:s17+s2] =	stream.linear.scatter [tilespmem:s8], [sflag:$0x5], $0xC800, $0x38;
	[tilespmem:$0x19400] =	vst v63  }
0xd8: {  	_ = 	snop  }
0xd9: {  	[tilespmem:s2], [sflag:$0x1] =	stream.linear.gather [hbm4b:s20+s2], $0x190, $0x38;
	[tilespmem:$0x19400] =	vst v63  }
0xda: {  	_ =	swait.ge [sflag:s21], $0x190  }
0xdb: {  	[sflag:s21] =	ssyncset.done $0x0  }
0xdc: {  	[sflag:s21] =	ssyncadd.s32 $0xFFFFFE70  }
0xdd: {  	_ =	swait.ge [sflag:s9], $0xC800  }
0xde: {  	[sflag:s9] =	ssyncset.done $0x0  }
0xdf: {  	[sflag:s9] =	ssyncadd.s32 $0xFFFF3800  }
0xe0: {  	[tilespmem:s8], [sflag:$0x3] =	stream.indirect.gather [hbm4b:s3+s12], $0x80, s2, s12, $0xb8;
	[tilespmem:$0x19400] =	vst v63  }
0xe1: {  	_ =	swait.ge [sflag:s14], $0xC800  }
0xe2: {  	[sflag:s14] =	ssyncset.done $0x0  }
0xe3: {  	[sflag:s14] =	ssyncadd.s32 $0xFFFF3800  }
0xe4: {  	[hbm4b:s13+s2] =	stream.linear.scatter [tilespmem:s11], [sflag:$0x6], $0xC800, $0x38;
	[tilespmem:$0x19400] =	vst v63  }
0xe5: {  	_ = 	snop  }
0xe6: {  	[tilespmem:s10], [sflag:$0x2] =	stream.linear.gather [hbm4b:s22+s2], $0x190, $0x38;
	[tilespmem:$0x19400] =	vst v63  }
0xe7: {  	_ =	swait.ge [sflag:s18], $0x190  }
0xe8: {  	[sflag:s18] =	ssyncset.done $0x0  }
0xe9: {  	[sflag:s18] =	ssyncadd.s32 $0xFFFFFE70  }
0xea: {  	_ =	swait.ge [sflag:s31], $0xC800  }
0xeb: {  	[sflag:s31] =	ssyncset.done $0x0  }
0xec: {  	[sflag:s31] =	ssyncadd.s32 $0xFFFF3800  }
0xed: {  	[tilespmem:s11], [sflag:$0x4] =	stream.indirect.gather [hbm4b:s3+s12], $0x80, s10, s12, $0xb8;
	[tilespmem:$0x19400] =	vst v63  }
0xee: {  	_ =	swait.ge [sflag:s15], $0xC800  }
0xef: {  	[sflag:s15] =	ssyncset.done $0x0  }
0xf0: {  	[sflag:s15] =	ssyncadd.s32 $0xFFFF3800  }
0xf1: {  	[hbm4b:s7+s2] =	stream.linear.scatter [tilespmem:s8], [sflag:$0x5], $0xC800, $0x38;
	[tilespmem:$0x19400] =	vst v63  }
0xf2: {  	_ =	swait.ge [sflag:s14], $0xC800  }
0xf3: {  	[sflag:s14] =	ssyncset.done $0x0  }
0xf4: {  	p1 =	sne.s32 s6, $0x1;
	[sflag:s14] =	ssyncadd.s32 $0xFFFF3800  }
0xf5: {  	[hbm4b:s5+s2] =	stream.linear.scatter [tilespmem:s11], [sflag:$0x6], $0xC800, $0x38;
	[tilespmem:$0x19400] =	vst v63  }
.Ltmp1:
0xf6: {  	_ =	swait.ge [sflag:s9], $0xC800;
	(pc) =	sbr.rel @!p1 .LBB2_3-.Ltmp1, $4  }
0xf7: {  	[sflag:s9] =	ssyncset.done $0x0  }
0xf8: {  	[sflag:s9] =	ssyncadd.s32 $0xFFFF3800  }
0xf9: {  	p0 =	por $0x1, $0x1;
	_ =	swait.ge [sflag:s31], $0xC800;
	[dreg:$0x13] =	wrdreg s4  }
0xfa: {  	s1 =	sadd.s32 $0xFFFFFFFF, s6;
	s0 =	rddreg [dreg:$0x4];
	[sflag:s31] =	ssyncset.done $0x0  }
.LBB2_2:
0xfb: {  	[sflag:s31] =	ssyncadd.s32 $0xFFFF3800  }
0xfc: {  	[tilespmem:s2], [sflag:$0x1] =	stream.linear.gather [hbm4b:s0+s2], $0x190, $0x38;
	[tilespmem:$0x19400] =	vst v63  }
0xfd: {  	s11 =	simm.s32 $0x200;
	s4 =	rddreg [dreg:$0x5]  }
0xfe: {  	[tilespmem:s11], [sflag:$0x2] =	stream.linear.gather [hbm4b:s4+s2], $0x190, $0x38;
	[tilespmem:$0x19400] =	vst v63  }
0xff: {  	_ =	swait.ge [sflag:s21], $0x190  }
0x100: {  	[sflag:s21] =	ssyncset.done $0x0  }
0x101: {  	s6 =	simm.s32 $0x190;
	s10 =	simm.s32 $0x400;
	[sflag:s21] =	ssyncadd.s32 $0xFFFFFE70  }
0x102: {  	[tilespmem:s10], [sflag:$0x3] =	stream.indirect.gather [hbm4b:s3+s6], $0x80, s2, s6, $0xb8;
	[tilespmem:$0x19400] =	vst v63  }
0x103: {  	_ =	swait.ge [sflag:s18], $0x190  }
0x104: {  	[sflag:s18] =	ssyncset.done $0x0  }
0x105: {  	s12 =	simm.s32 $0xCC00;
	[sflag:s18] =	ssyncadd.s32 $0xFFFFFE70  }
0x106: {  	[tilespmem:s12], [sflag:$0x4] =	stream.indirect.gather [hbm4b:s3+s6], $0x80, s11, s6, $0xb8;
	[tilespmem:$0x19400] =	vst v63  }
0x107: {  	_ =	swait.ge [sflag:s15], $0xC800  }
0x108: {  	[sflag:s15] =	ssyncset.done $0x0  }
0x109: {  	s4 =	rddreg [dreg:$0x6];
	[sflag:s15] =	ssyncadd.s32 $0xFFFF3800  }
0x10a: {  	[hbm4b:s4+s2] =	stream.linear.scatter [tilespmem:s10], [sflag:$0x5], $0xC800, $0x38;
	[tilespmem:$0x19400] =	vst v63  }
0x10b: {  	s19 =	rddreg [dreg:$0x7]  }
0x10c: {  	[tilespmem:s2], [sflag:$0x1] =	stream.linear.gather [hbm4b:s19+s2], $0x190, $0x38;
	[tilespmem:$0x19400] =	vst v63  }
0x10d: {  	_ =	swait.ge [sflag:s21], $0x190  }
0x10e: {  	[sflag:s21] =	ssyncset.done $0x0  }
0x10f: {  	[sflag:s21] =	ssyncadd.s32 $0xFFFFFE70  }
0x110: {  	_ =	swait.ge [sflag:s9], $0xC800  }
0x111: {  	[sflag:s9] =	ssyncset.done $0x0  }
0x112: {  	[sflag:s9] =	ssyncadd.s32 $0xFFFF3800  }
0x113: {  	[tilespmem:s10], [sflag:$0x3] =	stream.indirect.gather [hbm4b:s3+s6], $0x80, s2, s6, $0xb8;
	[tilespmem:$0x19400] =	vst v63  }
0x114: {  	s8 =	smov.u32 s30;
	_ =	swait.ge [sflag:s14], $0xC800  }
0x115: {  	s30 =	smov.u32 s29;
	s29 =	smov.u32 s28;
	[sflag:s14] =	ssyncset.done $0x0  }
0x116: {  	s16 =	smov.u32 s22;
	s22 =	rddreg [dreg:$0x8];
	[sflag:s14] =	ssyncadd.s32 $0xFFFF3800  }
0x117: {  	[hbm4b:s22+s2] =	stream.linear.scatter [tilespmem:s12], [sflag:$0x6], $0xC800, $0x38;
	[tilespmem:$0x19400] =	vst v63  }
0x118: {  	s28 =	smov.u32 s26;
	s26 =	smov.u32 s25;
	s25 =	rddreg [dreg:$0x9]  }
0x119: {  	[tilespmem:s11], [sflag:$0x2] =	stream.linear.gather [hbm4b:s25+s2], $0x190, $0x38;
	[tilespmem:$0x19400] =	vst v63  }
0x11a: {  	_ =	swait.ge [sflag:s18], $0x190  }
0x11b: {  	[sflag:s18] =	ssyncset.done $0x0  }
0x11c: {  	[sflag:s18] =	ssyncadd.s32 $0xFFFFFE70  }
0x11d: {  	_ =	swait.ge [sflag:s31], $0xC800  }
0x11e: {  	[sflag:s31] =	ssyncset.done $0x0  }
0x11f: {  	[sflag:s31] =	ssyncadd.s32 $0xFFFF3800  }
0x120: {  	[tilespmem:s12], [sflag:$0x4] =	stream.indirect.gather [hbm4b:s3+s6], $0x80, s11, s6, $0xb8;
	[tilespmem:$0x19400] =	vst v63  }
0x121: {  	_ =	swait.ge [sflag:s15], $0xC800  }
0x122: {  	[sflag:s15] =	ssyncset.done $0x0  }
0x123: {  	s4 =	rddreg [dreg:$0xa];
	[sflag:s15] =	ssyncadd.s32 $0xFFFF3800  }
0x124: {  	[hbm4b:s4+s2] =	stream.linear.scatter [tilespmem:s10], [sflag:$0x5], $0xC800, $0x38;
	[tilespmem:$0x19400] =	vst v63  }
0x125: {  	s19 =	rddreg [dreg:$0xb]  }
0x126: {  	[tilespmem:s2], [sflag:$0x1] =	stream.linear.gather [hbm4b:s19+s2], $0x190, $0x38;
	[tilespmem:$0x19400] =	vst v63  }
0x127: {  	_ =	swait.ge [sflag:s21], $0x190  }
0x128: {  	[sflag:s21] =	ssyncset.done $0x0  }
0x129: {  	[sflag:s21] =	ssyncadd.s32 $0xFFFFFE70  }
0x12a: {  	_ =	swait.ge [sflag:s9], $0xC800  }
0x12b: {  	[sflag:s9] =	ssyncset.done $0x0  }
0x12c: {  	[sflag:s9] =	ssyncadd.s32 $0xFFFF3800  }
0x12d: {  	[tilespmem:s10], [sflag:$0x3] =	stream.indirect.gather [hbm4b:s3+s6], $0x80, s2, s6, $0xb8;
	[tilespmem:$0x19400] =	vst v63  }
0x12e: {  	_ =	swait.ge [sflag:s14], $0xC800  }
0x12f: {  	[sflag:s14] =	ssyncset.done $0x0  }
0x130: {  	s22 =	rddreg [dreg:$0xc];
	[sflag:s14] =	ssyncadd.s32 $0xFFFF3800  }
0x131: {  	[hbm4b:s22+s2] =	stream.linear.scatter [tilespmem:s12], [sflag:$0x6], $0xC800, $0x38;
	[tilespmem:$0x19400] =	vst v63  }
0x132: {  	s25 =	rddreg [dreg:$0xd]  }
0x133: {  	[tilespmem:s11], [sflag:$0x2] =	stream.linear.gather [hbm4b:s25+s2], $0x190, $0x38;
	[tilespmem:$0x19400] =	vst v63  }
0x134: {  	_ =	swait.ge [sflag:s18], $0x190  }
0x135: {  	[sflag:s18] =	ssyncset.done $0x0  }
0x136: {  	[sflag:s18] =	ssyncadd.s32 $0xFFFFFE70  }
0x137: {  	_ =	swait.ge [sflag:s31], $0xC800  }
0x138: {  	[sflag:s31] =	ssyncset.done $0x0  }
0x139: {  	[sflag:s31] =	ssyncadd.s32 $0xFFFF3800  }
0x13a: {  	[tilespmem:s12], [sflag:$0x4] =	stream.indirect.gather [hbm4b:s3+s6], $0x80, s11, s6, $0xb8;
	[tilespmem:$0x19400] =	vst v63  }
0x13b: {  	_ =	swait.ge [sflag:s15], $0xC800  }
0x13c: {  	[sflag:s15] =	ssyncset.done $0x0  }
0x13d: {  	s6 =	rddreg [dreg:$0xe];
	[sflag:s15] =	ssyncadd.s32 $0xFFFF3800  }
0x13e: {  	[hbm4b:s6+s2] =	stream.linear.scatter [tilespmem:s10], [sflag:$0x5], $0xC800, $0x38;
	[tilespmem:$0x19400] =	vst v63  }
0x13f: {  	s19 =	rddreg [dreg:$0xf]  }
0x140: {  	[tilespmem:s2], [sflag:$0x1] =	stream.linear.gather [hbm4b:s19+s2], $0x190, $0x38;
	[tilespmem:$0x19400] =	vst v63  }
0x141: {  	_ =	swait.ge [sflag:s21], $0x190  }
0x142: {  	[sflag:s21] =	ssyncset.done $0x0  }
0x143: {  	[sflag:s21] =	ssyncadd.s32 $0xFFFFFE70  }
0x144: {  	_ =	swait.ge [sflag:s9], $0xC800  }
0x145: {  	[sflag:s9] =	ssyncset.done $0x0  }
0x146: {  	s12 =	simm.s32 $0x190;
	[sflag:s9] =	ssyncadd.s32 $0xFFFF3800  }
0x147: {  	[tilespmem:s10], [sflag:$0x3] =	stream.indirect.gather [hbm4b:s3+s12], $0x80, s2, s12, $0xb8;
	[tilespmem:$0x19400] =	vst v63  }
0x148: {  	_ =	swait.ge [sflag:s14], $0xC800  }
0x149: {  	s11 =	simm.s32 $0xCC00;
	s6 =	smov.u32 s5;
	s22 =	rddreg [dreg:$0x10]  }
0x14a: {  	s5 =	smov.u32 s7;
	s7 =	smov.u32 s13;
	s25 =	rddreg [dreg:$0x11]  }
0x14b: {  	s13 =	smov.u32 s17;
	[sflag:s14] =	ssyncset.done $0x0;
	s17 =	rddreg [dreg:$0x14]  }
0x14c: {  	s19 =	smov.u32 s20;
	s20 =	rddreg [dreg:$0x15];
	[sflag:s14] =	ssyncadd.s32 $0xFFFF3800  }
0x14d: {  	[hbm4b:s22+s2] =	stream.linear.scatter [tilespmem:s11], [sflag:$0x6], $0xC800, $0x38;
	[tilespmem:$0x19400] =	vst v63  }
0x14e: {  	s10 =	simm.s32 $0x200;
	s4 =	rddreg [dreg:$0x13]  }
0x14f: {  	[tilespmem:s10], [sflag:$0x2] =	stream.linear.gather [hbm4b:s25+s2], $0x190, $0x38;
	[tilespmem:$0x19400] =	vst v63  }
0x150: {  	s22 =	rddreg [dreg:$0x16];
	_ =	swait.ge [sflag:s18], $0x190  }
0x151: {  	[sflag:s18] =	ssyncset.done $0x0  }
0x152: {  	[sflag:s18] =	ssyncadd.s32 $0xFFFFFE70  }
0x153: {  	_ =	swait.ge [sflag:s31], $0xC800  }
0x154: {  	[sflag:s31] =	ssyncset.done $0x0  }
0x155: {  	s25 =	smov.u32 s26;
	[sflag:s31] =	ssyncadd.s32 $0xFFFF3800  }
0x156: {  	[tilespmem:s11], [sflag:$0x4] =	stream.indirect.gather [hbm4b:s3+s12], $0x80, s10, s12, $0xb8;
	[tilespmem:$0x19400] =	vst v63  }
0x157: {  	s26 =	smov.u32 s28;
	s28 =	smov.u32 s29;
	_ =	swait.ge [sflag:s15], $0xC800  }
0x158: {  	s29 =	smov.u32 s30;
	s30 =	smov.u32 s8;
	[sflag:s15] =	ssyncset.done $0x0  }
0x159: {  	s8 =	simm.s32 $0x400;
	s0 =	rddreg [dreg:$0x12];
	[sflag:s15] =	ssyncadd.s32 $0xFFFF3800  }
0x15a: {  	[hbm4b:s0+s2] =	stream.linear.scatter [tilespmem:s8], [sflag:$0x5], $0xC800, $0x38;
	[tilespmem:$0x19400] =	vst v63  }
0x15b: {  	_ = 	snop  }
0x15c: {  	[tilespmem:s2], [sflag:$0x1] =	stream.linear.gather [hbm4b:s4+s2], $0x190, $0x38;
	[tilespmem:$0x19400] =	vst v63  }
0x15d: {  	_ =	swait.ge [sflag:s21], $0x190  }
0x15e: {  	[sflag:s21] =	ssyncset.done $0x0  }
0x15f: {  	[sflag:s21] =	ssyncadd.s32 $0xFFFFFE70  }
0x160: {  	_ =	swait.ge [sflag:s9], $0xC800  }
0x161: {  	[sflag:s9] =	ssyncset.done $0x0  }
0x162: {  	[sflag:s9] =	ssyncadd.s32 $0xFFFF3800  }
0x163: {  	[tilespmem:s8], [sflag:$0x3] =	stream.indirect.gather [hbm4b:s3+s12], $0x80, s2, s12, $0xb8;
	[tilespmem:$0x19400] =	vst v63  }
0x164: {  	_ =	swait.ge [sflag:s14], $0xC800  }
0x165: {  	[sflag:s14] =	ssyncset.done $0x0  }
0x166: {  	[sflag:s14] =	ssyncadd.s32 $0xFFFF3800  }
0x167: {  	[hbm4b:s29+s2] =	stream.linear.scatter [tilespmem:s11], [sflag:$0x6], $0xC800, $0x38;
	[tilespmem:$0x19400] =	vst v63  }
0x168: {  	_ = 	snop  }
0x169: {  	[tilespmem:s10], [sflag:$0x2] =	stream.linear.gather [hbm4b:s30+s2], $0x190, $0x38;
	[tilespmem:$0x19400] =	vst v63  }
0x16a: {  	_ =	swait.ge [sflag:s18], $0x190  }
0x16b: {  	[sflag:s18] =	ssyncset.done $0x0  }
0x16c: {  	[sflag:s18] =	ssyncadd.s32 $0xFFFFFE70  }
0x16d: {  	_ =	swait.ge [sflag:s31], $0xC800  }
0x16e: {  	[sflag:s31] =	ssyncset.done $0x0  }
0x16f: {  	[sflag:s31] =	ssyncadd.s32 $0xFFFF3800  }
0x170: {  	[tilespmem:s11], [sflag:$0x4] =	stream.indirect.gather [hbm4b:s3+s12], $0x80, s10, s12, $0xb8;
	[tilespmem:$0x19400] =	vst v63  }
0x171: {  	_ =	swait.ge [sflag:s15], $0xC800  }
0x172: {  	[sflag:s15] =	ssyncset.done $0x0  }
0x173: {  	[sflag:s15] =	ssyncadd.s32 $0xFFFF3800  }
0x174: {  	[hbm4b:s26+s2] =	stream.linear.scatter [tilespmem:s8], [sflag:$0x5], $0xC800, $0x38;
	[tilespmem:$0x19400] =	vst v63  }
0x175: {  	_ = 	snop  }
0x176: {  	[tilespmem:s2], [sflag:$0x1] =	stream.linear.gather [hbm4b:s28+s2], $0x190, $0x38;
	[tilespmem:$0x19400] =	vst v63  }
0x177: {  	_ =	swait.ge [sflag:s21], $0x190  }
0x178: {  	[sflag:s21] =	ssyncset.done $0x0  }
0x179: {  	[sflag:s21] =	ssyncadd.s32 $0xFFFFFE70  }
0x17a: {  	_ =	swait.ge [sflag:s9], $0xC800  }
0x17b: {  	[sflag:s9] =	ssyncset.done $0x0  }
0x17c: {  	[sflag:s9] =	ssyncadd.s32 $0xFFFF3800  }
0x17d: {  	[tilespmem:s8], [sflag:$0x3] =	stream.indirect.gather [hbm4b:s3+s12], $0x80, s2, s12, $0xb8;
	[tilespmem:$0x19400] =	vst v63  }
0x17e: {  	_ =	swait.ge [sflag:s14], $0xC800  }
0x17f: {  	[sflag:s14] =	ssyncset.done $0x0  }
0x180: {  	[sflag:s14] =	ssyncadd.s32 $0xFFFF3800  }
0x181: {  	[hbm4b:s24+s2] =	stream.linear.scatter [tilespmem:s11], [sflag:$0x6], $0xC800, $0x38;
	[tilespmem:$0x19400] =	vst v63  }
0x182: {  	_ = 	snop  }
0x183: {  	[tilespmem:s10], [sflag:$0x2] =	stream.linear.gather [hbm4b:s25+s2], $0x190, $0x38;
	[tilespmem:$0x19400] =	vst v63  }
0x184: {  	_ =	swait.ge [sflag:s18], $0x190  }
0x185: {  	[sflag:s18] =	ssyncset.done $0x0  }
0x186: {  	[sflag:s18] =	ssyncadd.s32 $0xFFFFFE70  }
0x187: {  	_ =	swait.ge [sflag:s31], $0xC800  }
0x188: {  	[sflag:s31] =	ssyncset.done $0x0  }
0x189: {  	[sflag:s31] =	ssyncadd.s32 $0xFFFF3800  }
0x18a: {  	[tilespmem:s11], [sflag:$0x4] =	stream.indirect.gather [hbm4b:s3+s12], $0x80, s10, s12, $0xb8;
	[tilespmem:$0x19400] =	vst v63  }
0x18b: {  	_ =	swait.ge [sflag:s15], $0xC800  }
0x18c: {  	[sflag:s15] =	ssyncset.done $0x0  }
0x18d: {  	[sflag:s15] =	ssyncadd.s32 $0xFFFF3800  }
0x18e: {  	[hbm4b:s20+s2] =	stream.linear.scatter [tilespmem:s8], [sflag:$0x5], $0xC800, $0x38;
	[tilespmem:$0x19400] =	vst v63  }
0x18f: {  	_ = 	snop  }
0x190: {  	[tilespmem:s2], [sflag:$0x1] =	stream.linear.gather [hbm4b:s23+s2], $0x190, $0x38;
	[tilespmem:$0x19400] =	vst v63  }
0x191: {  	_ =	swait.ge [sflag:s21], $0x190  }
0x192: {  	[sflag:s21] =	ssyncset.done $0x0  }
0x193: {  	[sflag:s21] =	ssyncadd.s32 $0xFFFFFE70  }
0x194: {  	_ =	swait.ge [sflag:s9], $0xC800  }
0x195: {  	[sflag:s9] =	ssyncset.done $0x0  }
0x196: {  	[sflag:s9] =	ssyncadd.s32 $0xFFFF3800  }
0x197: {  	[tilespmem:s8], [sflag:$0x3] =	stream.indirect.gather [hbm4b:s3+s12], $0x80, s2, s12, $0xb8;
	[tilespmem:$0x19400] =	vst v63  }
0x198: {  	_ =	swait.ge [sflag:s14], $0xC800  }
0x199: {  	[sflag:s14] =	ssyncset.done $0x0  }
0x19a: {  	[sflag:s14] =	ssyncadd.s32 $0xFFFF3800  }
0x19b: {  	[hbm4b:s17+s2] =	stream.linear.scatter [tilespmem:s11], [sflag:$0x6], $0xC800, $0x38;
	[tilespmem:$0x19400] =	vst v63  }
0x19c: {  	_ = 	snop  }
0x19d: {  	[tilespmem:s10], [sflag:$0x2] =	stream.linear.gather [hbm4b:s22+s2], $0x190, $0x38;
	[tilespmem:$0x19400] =	vst v63  }
0x19e: {  	_ =	swait.ge [sflag:s18], $0x190  }
0x19f: {  	[sflag:s18] =	ssyncset.done $0x0  }
0x1a0: {  	[sflag:s18] =	ssyncadd.s32 $0xFFFFFE70  }
0x1a1: {  	_ =	swait.ge [sflag:s31], $0xC800  }
0x1a2: {  	[sflag:s31] =	ssyncset.done $0x0  }
0x1a3: {  	[sflag:s31] =	ssyncadd.s32 $0xFFFF3800  }
0x1a4: {  	[tilespmem:s11], [sflag:$0x4] =	stream.indirect.gather [hbm4b:s3+s12], $0x80, s10, s12, $0xb8;
	[tilespmem:$0x19400] =	vst v63  }
0x1a5: {  	_ =	swait.ge [sflag:s15], $0xC800  }
0x1a6: {  	[sflag:s15] =	ssyncset.done $0x0  }
0x1a7: {  	[sflag:s15] =	ssyncadd.s32 $0xFFFF3800  }
0x1a8: {  	[hbm4b:s13+s2] =	stream.linear.scatter [tilespmem:s8], [sflag:$0x5], $0xC800, $0x38;
	[tilespmem:$0x19400] =	vst v63  }
0x1a9: {  	_ = 	snop  }
0x1aa: {  	[tilespmem:s2], [sflag:$0x1] =	stream.linear.gather [hbm4b:s19+s2], $0x190, $0x38;
	[tilespmem:$0x19400] =	vst v63  }
0x1ab: {  	_ =	swait.ge [sflag:s21], $0x190  }
0x1ac: {  	[sflag:s21] =	ssyncset.done $0x0  }
0x1ad: {  	[sflag:s21] =	ssyncadd.s32 $0xFFFFFE70  }
0x1ae: {  	_ =	swait.ge [sflag:s9], $0xC800  }
0x1af: {  	[sflag:s9] =	ssyncset.done $0x0  }
0x1b0: {  	[sflag:s9] =	ssyncadd.s32 $0xFFFF3800  }
0x1b1: {  	[tilespmem:s8], [sflag:$0x3] =	stream.indirect.gather [hbm4b:s3+s12], $0x80, s2, s12, $0xb8;
	[tilespmem:$0x19400] =	vst v63  }
0x1b2: {  	_ =	swait.ge [sflag:s14], $0xC800  }
0x1b3: {  	[sflag:s14] =	ssyncset.done $0x0  }
0x1b4: {  	[sflag:s14] =	ssyncadd.s32 $0xFFFF3800  }
0x1b5: {  	[hbm4b:s7+s2] =	stream.linear.scatter [tilespmem:s11], [sflag:$0x6], $0xC800, $0x38;
	[tilespmem:$0x19400] =	vst v63  }
0x1b6: {  	_ = 	snop  }
0x1b7: {  	[tilespmem:s10], [sflag:$0x2] =	stream.linear.gather [hbm4b:s16+s2], $0x190, $0x38;
	[tilespmem:$0x19400] =	vst v63  }
0x1b8: {  	_ =	swait.ge [sflag:s18], $0x190  }
0x1b9: {  	[sflag:s18] =	ssyncset.done $0x0  }
0x1ba: {  	[sflag:s18] =	ssyncadd.s32 $0xFFFFFE70  }
0x1bb: {  	_ =	swait.ge [sflag:s31], $0xC800  }
0x1bc: {  	[sflag:s31] =	ssyncset.done $0x0  }
0x1bd: {  	[sflag:s31] =	ssyncadd.s32 $0xFFFF3800  }
0x1be: {  	[tilespmem:s11], [sflag:$0x4] =	stream.indirect.gather [hbm4b:s3+s12], $0x80, s10, s12, $0xb8;
	[tilespmem:$0x19400] =	vst v63  }
0x1bf: {  	_ =	swait.ge [sflag:s15], $0xC800  }
0x1c0: {  	[sflag:s15] =	ssyncset.done $0x0  }
0x1c1: {  	[sflag:s15] =	ssyncadd.s32 $0xFFFF3800  }
0x1c2: {  	[hbm4b:s5+s2] =	stream.linear.scatter [tilespmem:s8], [sflag:$0x5], $0xC800, $0x38;
	[tilespmem:$0x19400] =	vst v63  }
0x1c3: {  	_ =	swait.ge [sflag:s14], $0xC800  }
0x1c4: {  	[sflag:s14] =	ssyncset.done $0x0  }
0x1c5: {  	p1 =	sne.s32 s1, $0x1;
	[sflag:s14] =	ssyncadd.s32 $0xFFFF3800  }
0x1c6: {  	[hbm4b:s6+s2] =	stream.linear.scatter [tilespmem:s11], [sflag:$0x6], $0xC800, $0x38;
	[tilespmem:$0x19400] =	vst v63  }
.Ltmp2:
0x1c7: {  	_ =	swait.ge [sflag:s9], $0xC800;
	(pc) =	sbr.rel @p1 .LBB2_2-.Ltmp2, $4  }
0x1c8: {  	s1 =	sadd.s32 $0xFFFFFFFF, s1;
	s20 =	smov.u32 s19;
	[sflag:s9] =	ssyncset.done $0x0  }
0x1c9: {  	s17 =	smov.u32 s13;
	s22 =	smov.u32 s16;
	[sflag:s9] =	ssyncadd.s32 $0xFFFF3800  }
0x1ca: {  	s13 =	smov.u32 s7;
	s7 =	smov.u32 s5;
	_ =	swait.ge [sflag:s31], $0xC800  }
0x1cb: {  	s5 =	smov.u32 s6;
	s0 =	rddreg [dreg:$0x4];
	[sflag:s31] =	ssyncset.done $0x0  }
.LBB2_3:
0x1cc: {  	[sflag:s31] =	ssyncadd.s32 @p0 $0xFFFF3800  }
0x1cd: {  	[tilespmem:s2], [sflag:$0x1] =	stream.linear.gather [hbm4b:s0+s2], $0x190, $0x38;
	[tilespmem:$0x19400] =	vst v63  }
0x1ce: {  	s1 =	rddreg [dreg:$0x5]  }
0x1cf: {  	[tilespmem:s10], [sflag:$0x2] =	stream.linear.gather [hbm4b:s1+s2], $0x190, $0x38;
	[tilespmem:$0x19400] =	vst v63  }
0x1d0: {  	_ =	swait.ge [sflag:s21], $0x190  }
0x1d1: {  	[sflag:s21] =	ssyncset.done $0x0  }
0x1d2: {  	[sflag:s21] =	ssyncadd.s32 $0xFFFFFE70  }
0x1d3: {  	[tilespmem:s8], [sflag:$0x3] =	stream.indirect.gather [hbm4b:s3+s12], $0x80, s2, s12, $0xb8;
	[tilespmem:$0x19400] =	vst v63  }
0x1d4: {  	_ =	swait.ge [sflag:s18], $0x190  }
0x1d5: {  	[sflag:s18] =	ssyncset.done $0x0  }
0x1d6: {  	[sflag:s18] =	ssyncadd.s32 $0xFFFFFE70  }
0x1d7: {  	[tilespmem:s11], [sflag:$0x4] =	stream.indirect.gather [hbm4b:s3+s12], $0x80, s10, s12, $0xb8;
	[tilespmem:$0x19400] =	vst v63  }
0x1d8: {  	_ =	swait.ge [sflag:s15], $0xC800  }
0x1d9: {  	[sflag:s15] =	ssyncset.done $0x0  }
0x1da: {  	s16 =	rddreg [dreg:$0x6];
	[sflag:s15] =	ssyncadd.s32 $0xFFFF3800  }
0x1db: {  	[hbm4b:s16+s2] =	stream.linear.scatter [tilespmem:s8], [sflag:$0x5], $0xC800, $0x38;
	[tilespmem:$0x19400] =	vst v63  }
0x1dc: {  	s19 =	rddreg [dreg:$0x7]  }
0x1dd: {  	[tilespmem:s2], [sflag:$0x1] =	stream.linear.gather [hbm4b:s19+s2], $0x190, $0x38;
	[tilespmem:$0x19400] =	vst v63  }
0x1de: {  	_ =	swait.ge [sflag:s21], $0x190  }
0x1df: {  	[sflag:s21] =	ssyncset.done $0x0  }
0x1e0: {  	[sflag:s21] =	ssyncadd.s32 $0xFFFFFE70  }
0x1e1: {  	_ =	swait.ge [sflag:s9], $0xC800  }
0x1e2: {  	[sflag:s9] =	ssyncset.done $0x0  }
0x1e3: {  	[sflag:s9] =	ssyncadd.s32 $0xFFFF3800  }
0x1e4: {  	[tilespmem:s8], [sflag:$0x3] =	stream.indirect.gather [hbm4b:s3+s12], $0x80, s2, s12, $0xb8;
	[tilespmem:$0x19400] =	vst v63  }
0x1e5: {  	_ =	swait.ge [sflag:s14], $0xC800  }
0x1e6: {  	[sflag:s14] =	ssyncset.done $0x0  }
0x1e7: {  	s1 =	rddreg [dreg:$0x8];
	[sflag:s14] =	ssyncadd.s32 $0xFFFF3800  }
0x1e8: {  	[hbm4b:s1+s2] =	stream.linear.scatter [tilespmem:s11], [sflag:$0x6], $0xC800, $0x38;
	[tilespmem:$0x19400] =	vst v63  }
0x1e9: {  	s6 =	rddreg [dreg:$0x9]  }
0x1ea: {  	[tilespmem:s10], [sflag:$0x2] =	stream.linear.gather [hbm4b:s6+s2], $0x190, $0x38;
	[tilespmem:$0x19400] =	vst v63  }
0x1eb: {  	_ =	swait.ge [sflag:s18], $0x190  }
0x1ec: {  	[sflag:s18] =	ssyncset.done $0x0  }
0x1ed: {  	[sflag:s18] =	ssyncadd.s32 $0xFFFFFE70  }
0x1ee: {  	_ =	swait.ge [sflag:s31], $0xC800  }
0x1ef: {  	[sflag:s31] =	ssyncset.done $0x0  }
0x1f0: {  	[sflag:s31] =	ssyncadd.s32 $0xFFFF3800  }
0x1f1: {  	[tilespmem:s11], [sflag:$0x4] =	stream.indirect.gather [hbm4b:s3+s12], $0x80, s10, s12, $0xb8;
	[tilespmem:$0x19400] =	vst v63  }
0x1f2: {  	_ =	swait.ge [sflag:s15], $0xC800  }
0x1f3: {  	[sflag:s15] =	ssyncset.done $0x0  }
0x1f4: {  	s16 =	rddreg [dreg:$0xa];
	[sflag:s15] =	ssyncadd.s32 $0xFFFF3800  }
0x1f5: {  	[hbm4b:s16+s2] =	stream.linear.scatter [tilespmem:s8], [sflag:$0x5], $0xC800, $0x38;
	[tilespmem:$0x19400] =	vst v63  }
0x1f6: {  	s19 =	rddreg [dreg:$0xb]  }
0x1f7: {  	[tilespmem:s2], [sflag:$0x1] =	stream.linear.gather [hbm4b:s19+s2], $0x190, $0x38;
	[tilespmem:$0x19400] =	vst v63  }
0x1f8: {  	_ =	swait.ge [sflag:s21], $0x190  }
0x1f9: {  	[sflag:s21] =	ssyncset.done $0x0  }
0x1fa: {  	[sflag:s21] =	ssyncadd.s32 $0xFFFFFE70  }
0x1fb: {  	_ =	swait.ge [sflag:s9], $0xC800  }
0x1fc: {  	[sflag:s9] =	ssyncset.done $0x0  }
0x1fd: {  	[sflag:s9] =	ssyncadd.s32 $0xFFFF3800  }
0x1fe: {  	[tilespmem:s8], [sflag:$0x3] =	stream.indirect.gather [hbm4b:s3+s12], $0x80, s2, s12, $0xb8;
	[tilespmem:$0x19400] =	vst v63  }
0x1ff: {  	_ =	swait.ge [sflag:s14], $0xC800  }
0x200: {  	[sflag:s14] =	ssyncset.done $0x0  }
0x201: {  	s1 =	rddreg [dreg:$0xc];
	[sflag:s14] =	ssyncadd.s32 $0xFFFF3800  }
0x202: {  	[hbm4b:s1+s2] =	stream.linear.scatter [tilespmem:s11], [sflag:$0x6], $0xC800, $0x38;
	[tilespmem:$0x19400] =	vst v63  }
0x203: {  	s6 =	rddreg [dreg:$0xd]  }
0x204: {  	[tilespmem:s10], [sflag:$0x2] =	stream.linear.gather [hbm4b:s6+s2], $0x190, $0x38;
	[tilespmem:$0x19400] =	vst v63  }
0x205: {  	_ =	swait.ge [sflag:s18], $0x190  }
0x206: {  	[sflag:s18] =	ssyncset.done $0x0  }
0x207: {  	[sflag:s18] =	ssyncadd.s32 $0xFFFFFE70  }
0x208: {  	_ =	swait.ge [sflag:s31], $0xC800  }
0x209: {  	[sflag:s31] =	ssyncset.done $0x0  }
0x20a: {  	[sflag:s31] =	ssyncadd.s32 $0xFFFF3800  }
0x20b: {  	[tilespmem:s11], [sflag:$0x4] =	stream.indirect.gather [hbm4b:s3+s12], $0x80, s10, s12, $0xb8;
	[tilespmem:$0x19400] =	vst v63  }
0x20c: {  	_ =	swait.ge [sflag:s15], $0xC800  }
0x20d: {  	[sflag:s15] =	ssyncset.done $0x0  }
0x20e: {  	s16 =	rddreg [dreg:$0xe];
	[sflag:s15] =	ssyncadd.s32 $0xFFFF3800  }
0x20f: {  	[hbm4b:s16+s2] =	stream.linear.scatter [tilespmem:s8], [sflag:$0x5], $0xC800, $0x38;
	[tilespmem:$0x19400] =	vst v63  }
0x210: {  	s19 =	rddreg [dreg:$0xf]  }
0x211: {  	[tilespmem:s2], [sflag:$0x1] =	stream.linear.gather [hbm4b:s19+s2], $0x190, $0x38;
	[tilespmem:$0x19400] =	vst v63  }
0x212: {  	_ =	swait.ge [sflag:s21], $0x190  }
0x213: {  	[sflag:s21] =	ssyncset.done $0x0  }
0x214: {  	[sflag:s21] =	ssyncadd.s32 $0xFFFFFE70  }
0x215: {  	_ =	swait.ge [sflag:s9], $0xC800  }
0x216: {  	[sflag:s9] =	ssyncset.done $0x0  }
0x217: {  	[sflag:s9] =	ssyncadd.s32 $0xFFFF3800  }
0x218: {  	[tilespmem:s8], [sflag:$0x3] =	stream.indirect.gather [hbm4b:s3+s12], $0x80, s2, s12, $0xb8;
	[tilespmem:$0x19400] =	vst v63  }
0x219: {  	_ =	swait.ge [sflag:s14], $0xC800  }
0x21a: {  	[sflag:s14] =	ssyncset.done $0x0  }
0x21b: {  	s6 =	rddreg [dreg:$0x10];
	[sflag:s14] =	ssyncadd.s32 $0xFFFF3800  }
0x21c: {  	[hbm4b:s6+s2] =	stream.linear.scatter [tilespmem:s11], [sflag:$0x6], $0xC800, $0x38;
	[tilespmem:$0x19400] =	vst v63  }
0x21d: {  	s16 =	rddreg [dreg:$0x11]  }
0x21e: {  	[tilespmem:s10], [sflag:$0x2] =	stream.linear.gather [hbm4b:s16+s2], $0x190, $0x38;
	[tilespmem:$0x19400] =	vst v63  }
0x21f: {  	_ =	swait.ge [sflag:s18], $0x190  }
0x220: {  	[sflag:s18] =	ssyncset.done $0x0  }
0x221: {  	[sflag:s18] =	ssyncadd.s32 $0xFFFFFE70  }
0x222: {  	_ =	swait.ge [sflag:s31], $0xC800  }
0x223: {  	[sflag:s31] =	ssyncset.done $0x0  }
0x224: {  	[sflag:s31] =	ssyncadd.s32 $0xFFFF3800  }
0x225: {  	[tilespmem:s11], [sflag:$0x4] =	stream.indirect.gather [hbm4b:s3+s12], $0x80, s10, s12, $0xb8;
	[tilespmem:$0x19400] =	vst v63  }
0x226: {  	_ =	swait.ge [sflag:s15], $0xC800  }
0x227: {  	[sflag:s15] =	ssyncset.done $0x0  }
0x228: {  	s19 =	rddreg [dreg:$0x12];
	[sflag:s15] =	ssyncadd.s32 $0xFFFF3800  }
0x229: {  	[hbm4b:s19+s2] =	stream.linear.scatter [tilespmem:s8], [sflag:$0x5], $0xC800, $0x38;
	[tilespmem:$0x19400] =	vst v63  }
0x22a: {  	_ = 	snop  }
0x22b: {  	[tilespmem:s2], [sflag:$0x1] =	stream.linear.gather [hbm4b:s4+s2], $0x190, $0x38;
	[tilespmem:$0x19400] =	vst v63  }
0x22c: {  	_ =	swait.ge [sflag:s21], $0x190  }
0x22d: {  	[sflag:s21] =	ssyncset.done $0x0  }
0x22e: {  	[sflag:s21] =	ssyncadd.s32 $0xFFFFFE70  }
0x22f: {  	_ =	swait.ge [sflag:s9], $0xC800  }
0x230: {  	[sflag:s9] =	ssyncset.done $0x0  }
0x231: {  	[sflag:s9] =	ssyncadd.s32 $0xFFFF3800  }
0x232: {  	[tilespmem:s8], [sflag:$0x3] =	stream.indirect.gather [hbm4b:s3+s12], $0x80, s2, s12, $0xb8;
	[tilespmem:$0x19400] =	vst v63  }
0x233: {  	_ =	swait.ge [sflag:s14], $0xC800  }
0x234: {  	[sflag:s14] =	ssyncset.done $0x0  }
0x235: {  	[sflag:s14] =	ssyncadd.s32 $0xFFFF3800  }
0x236: {  	[hbm4b:s29+s2] =	stream.linear.scatter [tilespmem:s11], [sflag:$0x6], $0xC800, $0x38;
	[tilespmem:$0x19400] =	vst v63  }
0x237: {  	_ = 	snop  }
0x238: {  	[tilespmem:s10], [sflag:$0x2] =	stream.linear.gather [hbm4b:s30+s2], $0x190, $0x38;
	[tilespmem:$0x19400] =	vst v63  }
0x239: {  	_ =	swait.ge [sflag:s18], $0x190  }
0x23a: {  	[sflag:s18] =	ssyncset.done $0x0  }
0x23b: {  	[sflag:s18] =	ssyncadd.s32 $0xFFFFFE70  }
0x23c: {  	_ =	swait.ge [sflag:s31], $0xC800  }
0x23d: {  	[sflag:s31] =	ssyncset.done $0x0  }
0x23e: {  	[sflag:s31] =	ssyncadd.s32 $0xFFFF3800  }
0x23f: {  	[tilespmem:s11], [sflag:$0x4] =	stream.indirect.gather [hbm4b:s3+s12], $0x80, s10, s12, $0xb8;
	[tilespmem:$0x19400] =	vst v63  }
0x240: {  	_ =	swait.ge [sflag:s15], $0xC800  }
0x241: {  	[sflag:s15] =	ssyncset.done $0x0  }
0x242: {  	[sflag:s15] =	ssyncadd.s32 $0xFFFF3800  }
0x243: {  	[hbm4b:s26+s2] =	stream.linear.scatter [tilespmem:s8], [sflag:$0x5], $0xC800, $0x38;
	[tilespmem:$0x19400] =	vst v63  }
0x244: {  	_ = 	snop  }
0x245: {  	[tilespmem:s2], [sflag:$0x1] =	stream.linear.gather [hbm4b:s28+s2], $0x190, $0x38;
	[tilespmem:$0x19400] =	vst v63  }
0x246: {  	_ =	swait.ge [sflag:s21], $0x190  }
0x247: {  	[sflag:s21] =	ssyncset.done $0x0  }
0x248: {  	[sflag:s21] =	ssyncadd.s32 $0xFFFFFE70  }
0x249: {  	_ =	swait.ge [sflag:s9], $0xC800  }
0x24a: {  	[sflag:s9] =	ssyncset.done $0x0  }
0x24b: {  	[sflag:s9] =	ssyncadd.s32 $0xFFFF3800  }
0x24c: {  	[tilespmem:s8], [sflag:$0x3] =	stream.indirect.gather [hbm4b:s3+s12], $0x80, s2, s12, $0xb8;
	[tilespmem:$0x19400] =	vst v63  }
0x24d: {  	_ =	swait.ge [sflag:s14], $0xC800  }
0x24e: {  	[sflag:s14] =	ssyncset.done $0x0  }
0x24f: {  	[sflag:s14] =	ssyncadd.s32 $0xFFFF3800  }
0x250: {  	[hbm4b:s24+s2] =	stream.linear.scatter [tilespmem:s11], [sflag:$0x6], $0xC800, $0x38;
	[tilespmem:$0x19400] =	vst v63  }
0x251: {  	_ = 	snop  }
0x252: {  	[tilespmem:s10], [sflag:$0x2] =	stream.linear.gather [hbm4b:s25+s2], $0x190, $0x38;
	[tilespmem:$0x19400] =	vst v63  }
0x253: {  	_ =	swait.ge [sflag:s18], $0x190  }
0x254: {  	[sflag:s18] =	ssyncset.done $0x0  }
0x255: {  	[sflag:s18] =	ssyncadd.s32 $0xFFFFFE70  }
0x256: {  	_ =	swait.ge [sflag:s31], $0xC800  }
0x257: {  	[sflag:s31] =	ssyncset.done $0x0  }
0x258: {  	[sflag:s31] =	ssyncadd.s32 $0xFFFF3800  }
0x259: {  	[tilespmem:s11], [sflag:$0x4] =	stream.indirect.gather [hbm4b:s3+s12], $0x80, s10, s12, $0xb8;
	[tilespmem:$0x19400] =	vst v63  }
0x25a: {  	_ =	swait.ge [sflag:s15], $0xC800  }
0x25b: {  	[sflag:s15] =	ssyncset.done $0x0  }
0x25c: {  	s28 =	rddreg [dreg:$0x15];
	[sflag:s15] =	ssyncadd.s32 $0xFFFF3800  }
0x25d: {  	[hbm4b:s28+s2] =	stream.linear.scatter [tilespmem:s8], [sflag:$0x5], $0xC800, $0x38;
	[tilespmem:$0x19400] =	vst v63  }
0x25e: {  	_ = 	snop  }
0x25f: {  	[tilespmem:s2], [sflag:$0x1] =	stream.linear.gather [hbm4b:s23+s2], $0x190, $0x38;
	[tilespmem:$0x19400] =	vst v63  }
0x260: {  	_ =	swait.ge [sflag:s21], $0x190  }
0x261: {  	[sflag:s21] =	ssyncset.done $0x0  }
0x262: {  	[sflag:s21] =	ssyncadd.s32 $0xFFFFFE70  }
0x263: {  	_ =	swait.ge [sflag:s9], $0xC800  }
0x264: {  	[sflag:s9] =	ssyncset.done $0x0  }
0x265: {  	[sflag:s9] =	ssyncadd.s32 $0xFFFF3800  }
0x266: {  	[tilespmem:s8], [sflag:$0x3] =	stream.indirect.gather [hbm4b:s3+s12], $0x80, s2, s12, $0xb8;
	[tilespmem:$0x19400] =	vst v63  }
0x267: {  	_ =	swait.ge [sflag:s14], $0xC800  }
0x268: {  	[sflag:s14] =	ssyncset.done $0x0  }
0x269: {  	s29 =	rddreg [dreg:$0x14];
	[sflag:s14] =	ssyncadd.s32 $0xFFFF3800  }
0x26a: {  	[hbm4b:s29+s2] =	stream.linear.scatter [tilespmem:s11], [sflag:$0x6], $0xC800, $0x38;
	[tilespmem:$0x19400] =	vst v63  }
0x26b: {  	s30 =	rddreg [dreg:$0x16]  }
0x26c: {  	[tilespmem:s10], [sflag:$0x2] =	stream.linear.gather [hbm4b:s30+s2], $0x190, $0x38;
	[tilespmem:$0x19400] =	vst v63  }
0x26d: {  	_ =	swait.ge [sflag:s18], $0x190  }
0x26e: {  	[sflag:s18] =	ssyncset.done $0x0  }
0x26f: {  	[sflag:s18] =	ssyncadd.s32 $0xFFFFFE70  }
0x270: {  	_ =	swait.ge [sflag:s31], $0xC800  }
0x271: {  	[sflag:s31] =	ssyncset.done $0x0  }
0x272: {  	[sflag:s31] =	ssyncadd.s32 $0xFFFF3800  }
0x273: {  	[tilespmem:s11], [sflag:$0x4] =	stream.indirect.gather [hbm4b:s3+s12], $0x80, s10, s12, $0xb8;
	[tilespmem:$0x19400] =	vst v63  }
0x274: {  	_ =	swait.ge [sflag:s15], $0xC800  }
0x275: {  	[sflag:s15] =	ssyncset.done $0x0  }
0x276: {  	[sflag:s15] =	ssyncadd.s32 $0xFFFF3800  }
0x277: {  	[hbm4b:s17+s2] =	stream.linear.scatter [tilespmem:s8], [sflag:$0x5], $0xC800, $0x38;
	[tilespmem:$0x19400] =	vst v63  }
0x278: {  	_ = 	snop  }
0x279: {  	[tilespmem:s2], [sflag:$0x1] =	stream.linear.gather [hbm4b:s20+s2], $0x190, $0x38;
	[tilespmem:$0x19400] =	vst v63  }
0x27a: {  	_ =	swait.ge [sflag:s21], $0x190  }
0x27b: {  	[sflag:s21] =	ssyncset.done $0x0  }
0x27c: {  	[sflag:s21] =	ssyncadd.s32 $0xFFFFFE70  }
0x27d: {  	_ =	swait.ge [sflag:s9], $0xC800  }
0x27e: {  	[sflag:s9] =	ssyncset.done $0x0  }
0x27f: {  	[sflag:s9] =	ssyncadd.s32 $0xFFFF3800  }
0x280: {  	[tilespmem:s8], [sflag:$0x3] =	stream.indirect.gather [hbm4b:s3+s12], $0x80, s2, s12, $0xb8;
	[tilespmem:$0x19400] =	vst v63  }
0x281: {  	_ =	swait.ge [sflag:s14], $0xC800  }
0x282: {  	[sflag:s14] =	ssyncset.done $0x0  }
0x283: {  	[sflag:s14] =	ssyncadd.s32 $0xFFFF3800  }
0x284: {  	[hbm4b:s13+s2] =	stream.linear.scatter [tilespmem:s11], [sflag:$0x6], $0xC800, $0x38;
	[tilespmem:$0x19400] =	vst v63  }
0x285: {  	_ = 	snop  }
0x286: {  	[tilespmem:s10], [sflag:$0x2] =	stream.linear.gather [hbm4b:s22+s2], $0x190, $0x38;
	[tilespmem:$0x19400] =	vst v63  }
0x287: {  	_ =	swait.ge [sflag:s18], $0x190  }
0x288: {  	[sflag:s18] =	ssyncset.done $0x0  }
0x289: {  	[sflag:s18] =	ssyncadd.s32 $0xFFFFFE70  }
0x28a: {  	_ =	swait.ge [sflag:s31], $0xC800  }
0x28b: {  	[sflag:s31] =	ssyncset.done $0x0  }
0x28c: {  	[sflag:s31] =	ssyncadd.s32 $0xFFFF3800  }
0x28d: {  	[tilespmem:s11], [sflag:$0x4] =	stream.indirect.gather [hbm4b:s3+s12], $0x80, s10, s12, $0xb8;
	[tilespmem:$0x19400] =	vst v63  }
0x28e: {  	_ =	swait.ge [sflag:s15], $0xC800  }
0x28f: {  	[sflag:s15] =	ssyncset.done $0x0  }
0x290: {  	[sflag:s15] =	ssyncadd.s32 $0xFFFF3800  }
0x291: {  	[hbm4b:s7+s2] =	stream.linear.scatter [tilespmem:s8], [sflag:$0x5], $0xC800, $0x38;
	[tilespmem:$0x19400] =	vst v63  }
0x292: {  	_ =	swait.ge [sflag:s14], $0xC800  }
0x293: {  	[sflag:s14] =	ssyncset.done $0x0  }
0x294: {  	[sflag:s14] =	ssyncadd.s32 $0xFFFF3800  }
0x295: {  	[hbm4b:s5+s2] =	stream.linear.scatter [tilespmem:s11], [sflag:$0x6], $0xC800, $0x38;
	[tilespmem:$0x19400] =	vst v63  }
0x296: {  	_ =	swait.ge [sflag:s9], $0xC800  }
0x297: {  	[sflag:s9] =	ssyncset.done $0x0  }
0x298: {  	[sflag:s9] =	ssyncadd.s32 $0xFFFF3800  }
0x299: {  	_ =	swait.ge [sflag:s31], $0xC800  }
0x29a: {  	[sflag:s31] =	ssyncset.done $0x0  }
0x29b: {  	[sflag:s31] =	ssyncadd.s32 $0xFFFF3800  }
0x29c: {  	_ =	sfence.sel $0x180000  }
0x29d: {  	[bflag:$0x0] =	sbarrier.arrive $0xFFFF  }
0x29e: {  	_ =	strace $0x90000047  }
0x29f: {  	s31 =	stileid.u32;
	[bflag:$0x2] =	sbarrier.arrive $0xFFFF  }
0x2a0: {  	p0 =	sne.s32 s31, $0x0;
	s0 =	rddreg [dreg:$0x3]  }
0x2a1: {  	s0 =	sadd.s32 @!p0 $0x100000, s0  }
0x2a2: {  	[sflag:s0] =	ssyncadd.tile.s32 @!p0 $0x1;
	_ =	shalt  }
.Lfunc_end2:
_tile_overlayer_lowered:
.L_overlay_start_2:
0x2a3: {  	(tag) =	ssettag $0x2  }
0x2a4: {  	s0 =	rddreg [dreg:$0x0];
	s2 =	stileid.u32  }
0x2a5: {  	s1 =	rddreg [dreg:$0x1];
	p0 =	sne.s32 s2, $0x0  }
0x2a6: {  	s3 =	rddreg [dreg:$0x2];
	[bflag:$0x3] =	sbarrier.arrive $0xFFFF;
	s2 =	simm.s32 @!p0 $0x1C07  }
0x2a7: {  	[timem:s3], [sflag:s2] =	dma.local @!p0 [hbm:s0], s1  }
0x2a8: {  	s0 =	simm.s32 @!p0 $0x7  }
0x2a9: {  	_ =	swait.ge @!p0 [sflag:s0], s1  }
0x2aa: {  	s1 =	ssub.s32 @!p0 $0x0, s1;
	[sflag:s0] =	ssyncset.done @!p0 $0x0  }
0x2ab: {  	[sflag:s0] =	ssyncadd.s32 @!p0 s1  }
0x2ac: {  	[bflag:$0x3] =	sbarrier.arrive $0xFFFF  }
0x2ad: {  	_ =	shalt  }

</sc_bundles>
